<compile_context>
chip_gen: v7x
topology: tpu7x:2x2x1
jax: 0.10.2.dev20260603
libtpu: 0.0.44.dev20260713+nightly
codegen_flags: <defaults>
</compile_context>

<pallas_src>
import functools

import jax
import jax.numpy as jnp
from jax import lax
from jax.experimental import pallas as pl
from jax.experimental.pallas import tpu as pltpu
from jax.experimental.pallas import tpu_sc as plsc

NUM_TOKENS = 16384 * 50
DIM = 32
NC, NS = 2, 16
NW = NC * NS
PER_W = NUM_TOKENS // NW
GROUP = 1280
NGROUP = PER_W // GROUP

_mesh = plsc.VectorSubcoreMesh(core_axis_name="c", subcore_axis_name="s")


@functools.partial(
    pl.kernel,
    out_type=jax.ShapeDtypeStruct((NW * NGROUP, GROUP, DIM), jnp.float32),
    mesh=_mesh,
    scratch_types=[
        pltpu.VMEM((NGROUP, GROUP), jnp.int32),
        pltpu.VMEM((GROUP, DIM), jnp.float32),
        pltpu.VMEM((GROUP, DIM), jnp.float32),
        pltpu.SemaphoreType.DMA,
        pltpu.SemaphoreType.DMA,
        pltpu.SemaphoreType.DMA,
        pltpu.SemaphoreType.DMA,
    ],
    compiler_params=pltpu.CompilerParams(use_tc_tiling_on_sc=False),
)
def _embed_lookup(tok_hbm, table_hbm, out_hbm, idx_v, buf_a, buf_b,
                  sem_ga, sem_gb, sem_oa, sem_ob):
    wid = lax.axis_index("s") * NC + lax.axis_index("c")
    gbase = wid * NGROUP
    pltpu.sync_copy(tok_hbm.at[wid], idx_v)

    bufs = (buf_a, buf_b)
    gsems = (sem_ga, sem_gb)
    osems = (sem_oa, sem_ob)

    def fire_gather(g, b):
        pltpu.async_copy(table_hbm.at[idx_v.at[g]], bufs[b], gsems[b])

    def drain_gather(b):
        pltpu.make_async_copy(out_hbm.at[0], bufs[b], gsems[b]).wait()

    def fire_copy(g, b):
        pltpu.async_copy(bufs[b], out_hbm.at[gbase + g], osems[b])

    def drain_copy(b):
        pltpu.make_async_copy(bufs[b], out_hbm.at[0], osems[b]).wait()

    fire_gather(0, 0)
    fire_gather(1, 1)
    for g in range(NGROUP):
        b = g % 2
        drain_gather(b)
        fire_copy(g, b)
        if g + 2 < NGROUP:
            drain_copy(b)
            fire_gather(g + 2, b)
    drain_copy(NGROUP % 2)
    drain_copy((NGROUP - 1) % 2)


def kernel(token_ids, weight):
    tok = token_ids.reshape(NW, NGROUP, GROUP).astype(jnp.int32)
    out = _embed_lookup(tok, weight)
    return out.reshape(token_ids.shape + (DIM,))

# --- scband reference (transcript-rebuilt; emitter-appended) ---
"""Pipeline reference for scband-embedding-44504451121885 (READ-ONLY COPY).

The authoritative reference and input builder live on the scoring server;
editing this copy changes nothing except your own understanding.
"""

import jax, jax.numpy as jnp
import numpy as np

NUM_EMBEDDINGS = 1000000
EMBEDDING_DIM = 32

def setup_inputs(seed: int = 0) -> dict:
    key = jax.random.key(seed)
    k1, k2 = jax.random.split(key)
    token_ids = jax.random.randint(k1, (16384, 50), 0, NUM_EMBEDDINGS, dtype=jnp.int64 if jax.config.jax_enable_x64 else jnp.int32)
    # trunc_normal init approximated by clipped normal, std=1.0, bounds [-3, 3]
    weight = jnp.clip(jax.random.normal(k2, (NUM_EMBEDDINGS, EMBEDDING_DIM), dtype=jnp.float32), -3.0, 3.0)
    return {"token_ids": token_ids, "weight": weight}

def reference(token_ids, weight):
    # Faithful translation of: return self.weight[token_ids]
    return jnp.take(weight, token_ids, axis=0)

if __name__ == "__main__":
    import jax
    _d = setup_inputs()
    print(jax.jit(kernel)(*tuple(_d.values())))

</pallas_src>

<mosaic_0001>
#map = affine_map<(d0, d1) -> (0, 0, 0)>
#map1 = affine_map<(d0, d1) -> (0, 0)>
module attributes {stable_mosaic.version = 14 : i64} {
  func.func @_embed_lookup(%arg0: i32, %arg1: i32, %arg2: memref<32x20x1280xi32, #tpu.memory_space<hbm>>, %arg3: memref<1000000x32xf32, #tpu.memory_space<hbm>>, %arg4: memref<640x1280x32xf32, #tpu.memory_space<hbm>>, %arg5: memref<20x1280xi32, #tpu.memory_space<vmem>>, %arg6: memref<1280x32xf32, #tpu.memory_space<vmem>>, %arg7: memref<1280x32xf32, #tpu.memory_space<vmem>>, %arg8: memref<!tpu.dma_semaphore, #tpu.memory_space<semaphore_mem>>, %arg9: memref<!tpu.dma_semaphore, #tpu.memory_space<semaphore_mem>>, %arg10: memref<!tpu.dma_semaphore, #tpu.memory_space<semaphore_mem>>, %arg11: memref<!tpu.dma_semaphore, #tpu.memory_space<semaphore_mem>>) attributes {dimension_semantics = [#tpu.dimension_semantics<core_parallel>, #tpu.dimension_semantics<subcore_parallel>], iteration_bounds = array<i64: 2, 16>, scalar_prefetch = 0 : i64, scratch_operands = 7 : i64, tpu.core_type = #tpu.core_type<sc_vector_subcore>, window_params = [{transform_indices = #map}, {transform_indices = #map1}, {transform_indices = #map}]} {
    %mul3A = arith.constant 2 : i32
    %mul3A_0 = arith.muli %arg1, %mul3A : i32
    %add3A = arith.addi %mul3A_0, %arg0 : i32
    %mul3A_1 = arith.constant 20 : i32
    %mul3A_2 = arith.muli %add3A, %mul3A_1 : i32
    "tpu.region"() ({
      %run_scoped3A = tpu.sem_alloc : memref<!tpu.dma_semaphore, #tpu.memory_space<semaphore_mem>>
      %dma_start3A_701 = arith.constant 0 : i32
      %dma_start3A_702 = arith.constant 0 : i32
      %dma_start3A_703 = tpu.memref_slice %arg2[%add3A, %dma_start3A_701, %dma_start3A_702] : memref<32x20x1280xi32, #tpu.memory_space<hbm>> -> memref<1x20x1280xi32, #tpu.memory_space<hbm>>
      %dma_start3A_704 = tpu.memref_squeeze %dma_start3A_703 : memref<1x20x1280xi32, #tpu.memory_space<hbm>> -> memref<20x1280xi32, #tpu.memory_space<hbm>>
      %dma_start3A_705 = arith.constant 0 : i32
      %dma_start3A_706 = arith.constant 0 : i32
      %dma_start3A_707 = tpu.memref_slice %arg2[%add3A, %dma_start3A_705, %dma_start3A_706] : memref<32x20x1280xi32, #tpu.memory_space<hbm>> -> memref<1x20x1280xi32, #tpu.memory_space<hbm>>
      %dma_start3A_708 = tpu.memref_squeeze %dma_start3A_707 : memref<1x20x1280xi32, #tpu.memory_space<hbm>> -> memref<20x1280xi32, #tpu.memory_space<hbm>>
      tpu.enqueue_dma source(%dma_start3A_708 : memref<20x1280xi32, #tpu.memory_space<hbm>>) target(%arg5 : memref<20x1280xi32, #tpu.memory_space<vmem>>) target_semaphore(%run_scoped3A : memref<!tpu.dma_semaphore, #tpu.memory_space<semaphore_mem>>)
      %dma_wait3A_709 = arith.constant 0 : i32
      %dma_wait3A_710 = arith.constant 0 : i32
      %dma_wait3A_711 = tpu.memref_slice %arg2[%add3A, %dma_wait3A_709, %dma_wait3A_710] : memref<32x20x1280xi32, #tpu.memory_space<hbm>> -> memref<1x20x1280xi32, #tpu.memory_space<hbm>>
      %dma_wait3A_712 = tpu.memref_squeeze %dma_wait3A_711 : memref<1x20x1280xi32, #tpu.memory_space<hbm>> -> memref<20x1280xi32, #tpu.memory_space<hbm>>
      %dma_wait3A_713 = arith.constant 0 : i32
      %dma_wait3A_714 = arith.constant 0 : i32
      %dma_wait3A_715 = tpu.memref_slice %arg2[%add3A, %dma_wait3A_713, %dma_wait3A_714] : memref<32x20x1280xi32, #tpu.memory_space<hbm>> -> memref<1x20x1280xi32, #tpu.memory_space<hbm>>
      %dma_wait3A_716 = tpu.memref_squeeze %dma_wait3A_715 : memref<1x20x1280xi32, #tpu.memory_space<hbm>> -> memref<20x1280xi32, #tpu.memory_space<hbm>>
      tpu.wait_dma2 semaphore(%run_scoped3A : memref<!tpu.dma_semaphore, #tpu.memory_space<semaphore_mem>>) src(%dma_wait3A_716 : memref<20x1280xi32, #tpu.memory_space<hbm>>) dst(%arg5 : memref<20x1280xi32, #tpu.memory_space<vmem>>)
      tpu.yield
    }) : () -> ()
    %dma_start3A = arith.constant 0 : i32
    %dma_start3A_3 = arith.constant 0 : i32
    %dma_start3A_4 = tpu.memref_slice %arg5[%dma_start3A, %dma_start3A_3] : memref<20x1280xi32, #tpu.memory_space<vmem>> -> memref<1x1280xi32, #tpu.memory_space<vmem>>
    %dma_start3A_5 = tpu.memref_squeeze %dma_start3A_4 : memref<1x1280xi32, #tpu.memory_space<vmem>> -> memref<1280xi32, #tpu.memory_space<vmem>>
    %dma_start3A_6 = arith.constant 0 : i32
    %dma_start3A_7 = arith.constant 0 : i32
    %dma_start3A_8 = tpu.memref_slice %arg3[%dma_start3A_6, %dma_start3A_7] : memref<1000000x32xf32, #tpu.memory_space<hbm>> -> memref<1000000x32xf32, #tpu.memory_space<hbm>>
    tpu.enqueue_indirect_dma source(%dma_start3A_8 : memref<1000000x32xf32, #tpu.memory_space<hbm>>) target(%arg6 : memref<1280x32xf32, #tpu.memory_space<vmem>>) offsets(%dma_start3A_5 : memref<1280xi32, #tpu.memory_space<vmem>>) semaphore(%arg8 : memref<!tpu.dma_semaphore, #tpu.memory_space<semaphore_mem>>)
    %dma_start3A_9 = arith.constant 1 : i32
    %dma_start3A_10 = arith.constant 0 : i32
    %dma_start3A_11 = tpu.memref_slice %arg5[%dma_start3A_9, %dma_start3A_10] : memref<20x1280xi32, #tpu.memory_space<vmem>> -> memref<1x1280xi32, #tpu.memory_space<vmem>>
    %dma_start3A_12 = tpu.memref_squeeze %dma_start3A_11 : memref<1x1280xi32, #tpu.memory_space<vmem>> -> memref<1280xi32, #tpu.memory_space<vmem>>
    %dma_start3A_13 = arith.constant 0 : i32
    %dma_start3A_14 = arith.constant 0 : i32
    %dma_start3A_15 = tpu.memref_slice %arg3[%dma_start3A_13, %dma_start3A_14] : memref<1000000x32xf32, #tpu.memory_space<hbm>> -> memref<1000000x32xf32, #tpu.memory_space<hbm>>
    tpu.enqueue_indirect_dma source(%dma_start3A_15 : memref<1000000x32xf32, #tpu.memory_space<hbm>>) target(%arg7 : memref<1280x32xf32, #tpu.memory_space<vmem>>) offsets(%dma_start3A_12 : memref<1280xi32, #tpu.memory_space<vmem>>) semaphore(%arg9 : memref<!tpu.dma_semaphore, #tpu.memory_space<semaphore_mem>>)
    %dma_wait3A = arith.constant 0 : i32
    %dma_wait3A_16 = arith.constant 0 : i32
    %dma_wait3A_17 = arith.constant 0 : i32
    %dma_wait3A_18 = tpu.memref_slice %arg4[%dma_wait3A, %dma_wait3A_16, %dma_wait3A_17] : memref<640x1280x32xf32, #tpu.memory_space<hbm>> -> memref<1x1280x32xf32, #tpu.memory_space<hbm>>
    %dma_wait3A_19 = tpu.memref_squeeze %dma_wait3A_18 : memref<1x1280x32xf32, #tpu.memory_space<hbm>> -> memref<1280x32xf32, #tpu.memory_space<hbm>>
    %dma_wait3A_20 = arith.constant 0 : i32
    %dma_wait3A_21 = arith.constant 0 : i32
    %dma_wait3A_22 = tpu.memref_slice %arg4[%dma_wait3A, %dma_wait3A_20, %dma_wait3A_21] : memref<640x1280x32xf32, #tpu.memory_space<hbm>> -> memref<1x1280x32xf32, #tpu.memory_space<hbm>>
    %dma_wait3A_23 = tpu.memref_squeeze %dma_wait3A_22 : memref<1x1280x32xf32, #tpu.memory_space<hbm>> -> memref<1280x32xf32, #tpu.memory_space<hbm>>
    tpu.wait_dma2 semaphore(%arg8 : memref<!tpu.dma_semaphore, #tpu.memory_space<semaphore_mem>>) src(%dma_wait3A_23 : memref<1280x32xf32, #tpu.memory_space<hbm>>) dst(%arg6 : memref<1280x32xf32, #tpu.memory_space<vmem>>)
    %add3A_24 = arith.constant 0 : i32
    %add3A_25 = arith.addi %mul3A_2, %add3A_24 : i32
    %dma_start3A_26 = arith.constant 0 : i32
    %dma_start3A_27 = arith.constant 0 : i32
    %dma_start3A_28 = tpu.memref_slice %arg4[%add3A_25, %dma_start3A_26, %dma_start3A_27] : memref<640x1280x32xf32, #tpu.memory_space<hbm>> -> memref<1x1280x32xf32, #tpu.memory_space<hbm>>
    %dma_start3A_29 = tpu.memref_squeeze %dma_start3A_28 : memref<1x1280x32xf32, #tpu.memory_space<hbm>> -> memref<1280x32xf32, #tpu.memory_space<hbm>>
    %dma_start3A_30 = arith.constant 0 : i32
    %dma_start3A_31 = arith.constant 0 : i32
    %dma_start3A_32 = tpu.memref_slice %arg4[%add3A_25, %dma_start3A_30, %dma_start3A_31] : memref<640x1280x32xf32, #tpu.memory_space<hbm>> -> memref<1x1280x32xf32, #tpu.memory_space<hbm>>
    %dma_start3A_33 = tpu.memref_squeeze %dma_start3A_32 : memref<1x1280x32xf32, #tpu.memory_space<hbm>> -> memref<1280x32xf32, #tpu.memory_space<hbm>>
    tpu.enqueue_dma source(%arg6 : memref<1280x32xf32, #tpu.memory_space<vmem>>) target(%dma_start3A_33 : memref<1280x32xf32, #tpu.memory_space<hbm>>) target_semaphore(%arg10 : memref<!tpu.dma_semaphore, #tpu.memory_space<semaphore_mem>>)
    %dma_wait3A_34 = arith.constant 0 : i32
    %dma_wait3A_35 = arith.constant 0 : i32
    %dma_wait3A_36 = arith.constant 0 : i32
    %dma_wait3A_37 = tpu.memref_slice %arg4[%dma_wait3A_34, %dma_wait3A_35, %dma_wait3A_36] : memref<640x1280x32xf32, #tpu.memory_space<hbm>> -> memref<1x1280x32xf32, #tpu.memory_space<hbm>>
    %dma_wait3A_38 = tpu.memref_squeeze %dma_wait3A_37 : memref<1x1280x32xf32, #tpu.memory_space<hbm>> -> memref<1280x32xf32, #tpu.memory_space<hbm>>
    %dma_wait3A_39 = arith.constant 0 : i32
    %dma_wait3A_40 = arith.constant 0 : i32
    %dma_wait3A_41 = tpu.memref_slice %arg4[%dma_wait3A_34, %dma_wait3A_39, %dma_wait3A_40] : memref<640x1280x32xf32, #tpu.memory_space<hbm>> -> memref<1x1280x32xf32, #tpu.memory_space<hbm>>
    %dma_wait3A_42 = tpu.memref_squeeze %dma_wait3A_41 : memref<1x1280x32xf32, #tpu.memory_space<hbm>> -> memref<1280x32xf32, #tpu.memory_space<hbm>>
    tpu.wait_dma2 semaphore(%arg10 : memref<!tpu.dma_semaphore, #tpu.memory_space<semaphore_mem>>) src(%arg6 : memref<1280x32xf32, #tpu.memory_space<vmem>>) dst(%dma_wait3A_42 : memref<1280x32xf32, #tpu.memory_space<hbm>>)
    %dma_start3A_43 = arith.constant 2 : i32
    %dma_start3A_44 = arith.constant 0 : i32
    %dma_start3A_45 = tpu.memref_slice %arg5[%dma_start3A_43, %dma_start3A_44] : memref<20x1280xi32, #tpu.memory_space<vmem>> -> memref<1x1280xi32, #tpu.memory_space<vmem>>
    %dma_start3A_46 = tpu.memref_squeeze %dma_start3A_45 : memref<1x1280xi32, #tpu.memory_space<vmem>> -> memref<1280xi32, #tpu.memory_space<vmem>>
    %dma_start3A_47 = arith.constant 0 : i32
    %dma_start3A_48 = arith.constant 0 : i32
    %dma_start3A_49 = tpu.memref_slice %arg3[%dma_start3A_47, %dma_start3A_48] : memref<1000000x32xf32, #tpu.memory_space<hbm>> -> memref<1000000x32xf32, #tpu.memory_space<hbm>>
    tpu.enqueue_indirect_dma source(%dma_start3A_49 : memref<1000000x32xf32, #tpu.memory_space<hbm>>) target(%arg6 : memref<1280x32xf32, #tpu.memory_space<vmem>>) offsets(%dma_start3A_46 : memref<1280xi32, #tpu.memory_space<vmem>>) semaphore(%arg8 : memref<!tpu.dma_semaphore, #tpu.memory_space<semaphore_mem>>)
    %dma_wait3A_50 = arith.constant 0 : i32
    %dma_wait3A_51 = arith.constant 0 : i32
    %dma_wait3A_52 = arith.constant 0 : i32
    %dma_wait3A_53 = tpu.memref_slice %arg4[%dma_wait3A_50, %dma_wait3A_51, %dma_wait3A_52] : memref<640x1280x32xf32, #tpu.memory_space<hbm>> -> memref<1x1280x32xf32, #tpu.memory_space<hbm>>
    %dma_wait3A_54 = tpu.memref_squeeze %dma_wait3A_53 : memref<1x1280x32xf32, #tpu.memory_space<hbm>> -> memref<1280x32xf32, #tpu.memory_space<hbm>>
    %dma_wait3A_55 = arith.constant 0 : i32
    %dma_wait3A_56 = arith.constant 0 : i32
    %dma_wait3A_57 = tpu.memref_slice %arg4[%dma_wait3A_50, %dma_wait3A_55, %dma_wait3A_56] : memref<640x1280x32xf32, #tpu.memory_space<hbm>> -> memref<1x1280x32xf32, #tpu.memory_space<hbm>>
    %dma_wait3A_58 = tpu.memref_squeeze %dma_wait3A_57 : memref<1x1280x32xf32, #tpu.memory_space<hbm>> -> memref<1280x32xf32, #tpu.memory_space<hbm>>
    tpu.wait_dma2 semaphore(%arg9 : memref<!tpu.dma_semaphore, #tpu.memory_space<semaphore_mem>>) src(%dma_wait3A_58 : memref<1280x32xf32, #tpu.memory_space<hbm>>) dst(%arg7 : memref<1280x32xf32, #tpu.memory_space<vmem>>)
    %add3A_59 = arith.constant 1 : i32
    %add3A_60 = arith.addi %mul3A_2, %add3A_59 : i32
    %dma_start3A_61 = arith.constant 0 : i32
    %dma_start3A_62 = arith.constant 0 : i32
    %dma_start3A_63 = tpu.memref_slice %arg4[%add3A_60, %dma_start3A_61, %dma_start3A_62] : memref<640x1280x32xf32, #tpu.memory_space<hbm>> -> memref<1x1280x32xf32, #tpu.memory_space<hbm>>
    %dma_start3A_64 = tpu.memref_squeeze %dma_start3A_63 : memref<1x1280x32xf32, #tpu.memory_space<hbm>> -> memref<1280x32xf32, #tpu.memory_space<hbm>>
    %dma_start3A_65 = arith.constant 0 : i32
    %dma_start3A_66 = arith.constant 0 : i32
    %dma_start3A_67 = tpu.memref_slice %arg4[%add3A_60, %dma_start3A_65, %dma_start3A_66] : memref<640x1280x32xf32, #tpu.memory_space<hbm>> -> memref<1x1280x32xf32, #tpu.memory_space<hbm>>
    %dma_start3A_68 = tpu.memref_squeeze %dma_start3A_67 : memref<1x1280x32xf32, #tpu.memory_space<hbm>> -> memref<1280x32xf32, #tpu.memory_space<hbm>>
    tpu.enqueue_dma source(%arg7 : memref<1280x32xf32, #tpu.memory_space<vmem>>) target(%dma_start3A_68 : memref<1280x32xf32, #tpu.memory_space<hbm>>) target_semaphore(%arg11 : memref<!tpu.dma_semaphore, #tpu.memory_space<semaphore_mem>>)
    %dma_wait3A_69 = arith.constant 0 : i32
    %dma_wait3A_70 = arith.constant 0 : i32
    %dma_wait3A_71 = arith.constant 0 : i32
    %dma_wait3A_72 = tpu.memref_slice %arg4[%dma_wait3A_69, %dma_wait3A_70, %dma_wait3A_71] : memref<640x1280x32xf32, #tpu.memory_space<hbm>> -> memref<1x1280x32xf32, #tpu.memory_space<hbm>>
    %dma_wait3A_73 = tpu.memref_squeeze %dma_wait3A_72 : memref<1x1280x32xf32, #tpu.memory_space<hbm>> -> memref<1280x32xf32, #tpu.memory_space<hbm>>
    %dma_wait3A_74 = arith.constant 0 : i32
    %dma_wait3A_75 = arith.constant 0 : i32
    %dma_wait3A_76 = tpu.memref_slice %arg4[%dma_wait3A_69, %dma_wait3A_74, %dma_wait3A_75] : memref<640x1280x32xf32, #tpu.memory_space<hbm>> -> memref<1x1280x32xf32, #tpu.memory_space<hbm>>
    %dma_wait3A_77 = tpu.memref_squeeze %dma_wait3A_76 : memref<1x1280x32xf32, #tpu.memory_space<hbm>> -> memref<1280x32xf32, #tpu.memory_space<hbm>>
    tpu.wait_dma2 semaphore(%arg11 : memref<!tpu.dma_semaphore, #tpu.memory_space<semaphore_mem>>) src(%arg7 : memref<1280x32xf32, #tpu.memory_space<vmem>>) dst(%dma_wait3A_77 : memref<1280x32xf32, #tpu.memory_space<hbm>>)
    %dma_start3A_78 = arith.constant 3 : i32
    %dma_start3A_79 = arith.constant 0 : i32
    %dma_start3A_80 = tpu.memref_slice %arg5[%dma_start3A_78, %dma_start3A_79] : memref<20x1280xi32, #tpu.memory_space<vmem>> -> memref<1x1280xi32, #tpu.memory_space<vmem>>
    %dma_start3A_81 = tpu.memref_squeeze %dma_start3A_80 : memref<1x1280xi32, #tpu.memory_space<vmem>> -> memref<1280xi32, #tpu.memory_space<vmem>>
    %dma_start3A_82 = arith.constant 0 : i32
    %dma_start3A_83 = arith.constant 0 : i32
    %dma_start3A_84 = tpu.memref_slice %arg3[%dma_start3A_82, %dma_start3A_83] : memref<1000000x32xf32, #tpu.memory_space<hbm>> -> memref<1000000x32xf32, #tpu.memory_space<hbm>>
    tpu.enqueue_indirect_dma source(%dma_start3A_84 : memref<1000000x32xf32, #tpu.memory_space<hbm>>) target(%arg7 : memref<1280x32xf32, #tpu.memory_space<vmem>>) offsets(%dma_start3A_81 : memref<1280xi32, #tpu.memory_space<vmem>>) semaphore(%arg9 : memref<!tpu.dma_semaphore, #tpu.memory_space<semaphore_mem>>)
    %dma_wait3A_85 = arith.constant 0 : i32
    %dma_wait3A_86 = arith.constant 0 : i32
    %dma_wait3A_87 = arith.constant 0 : i32
    %dma_wait3A_88 = tpu.memref_slice %arg4[%dma_wait3A_85, %dma_wait3A_86, %dma_wait3A_87] : memref<640x1280x32xf32, #tpu.memory_space<hbm>> -> memref<1x1280x32xf32, #tpu.memory_space<hbm>>
    %dma_wait3A_89 = tpu.memref_squeeze %dma_wait3A_88 : memref<1x1280x32xf32, #tpu.memory_space<hbm>> -> memref<1280x32xf32, #tpu.memory_space<hbm>>
    %dma_wait3A_90 = arith.constant 0 : i32
    %dma_wait3A_91 = arith.constant 0 : i32
    %dma_wait3A_92 = tpu.memref_slice %arg4[%dma_wait3A_85, %dma_wait3A_90, %dma_wait3A_91] : memref<640x1280x32xf32, #tpu.memory_space<hbm>> -> memref<1x1280x32xf32, #tpu.memory_space<hbm>>
    %dma_wait3A_93 = tpu.memref_squeeze %dma_wait3A_92 : memref<1x1280x32xf32, #tpu.memory_space<hbm>> -> memref<1280x32xf32, #tpu.memory_space<hbm>>
    tpu.wait_dma2 semaphore(%arg8 : memref<!tpu.dma_semaphore, #tpu.memory_space<semaphore_mem>>) src(%dma_wait3A_93 : memref<1280x32xf32, #tpu.memory_space<hbm>>) dst(%arg6 : memref<1280x32xf32, #tpu.memory_space<vmem>>)
    %add3A_94 = arith.constant 2 : i32
    %add3A_95 = arith.addi %mul3A_2, %add3A_94 : i32
    %dma_start3A_96 = arith.constant 0 : i32
    %dma_start3A_97 = arith.constant 0 : i32
    %dma_start3A_98 = tpu.memref_slice %arg4[%add3A_95, %dma_start3A_96, %dma_start3A_97] : memref<640x1280x32xf32, #tpu.memory_space<hbm>> -> memref<1x1280x32xf32, #tpu.memory_space<hbm>>
    %dma_start3A_99 = tpu.memref_squeeze %dma_start3A_98 : memref<1x1280x32xf32, #tpu.memory_space<hbm>> -> memref<1280x32xf32, #tpu.memory_space<hbm>>
    %dma_start3A_100 = arith.constant 0 : i32
    %dma_start3A_101 = arith.constant 0 : i32
    %dma_start3A_102 = tpu.memref_slice %arg4[%add3A_95, %dma_start3A_100, %dma_start3A_101] : memref<640x1280x32xf32, #tpu.memory_space<hbm>> -> memref<1x1280x32xf32, #tpu.memory_space<hbm>>
    %dma_start3A_103 = tpu.memref_squeeze %dma_start3A_102 : memref<1x1280x32xf32, #tpu.memory_space<hbm>> -> memref<1280x32xf32, #tpu.memory_space<hbm>>
    tpu.enqueue_dma source(%arg6 : memref<1280x32xf32, #tpu.memory_space<vmem>>) target(%dma_start3A_103 : memref<1280x32xf32, #tpu.memory_space<hbm>>) target_semaphore(%arg10 : memref<!tpu.dma_semaphore, #tpu.memory_space<semaphore_mem>>)
    %dma_wait3A_104 = arith.constant 0 : i32
    %dma_wait3A_105 = arith.constant 0 : i32
    %dma_wait3A_106 = arith.constant 0 : i32
    %dma_wait3A_107 = tpu.memref_slice %arg4[%dma_wait3A_104, %dma_wait3A_105, %dma_wait3A_106] : memref<640x1280x32xf32, #tpu.memory_space<hbm>> -> memref<1x1280x32xf32, #tpu.memory_space<hbm>>
    %dma_wait3A_108 = tpu.memref_squeeze %dma_wait3A_107 : memref<1x1280x32xf32, #tpu.memory_space<hbm>> -> memref<1280x32xf32, #tpu.memory_space<hbm>>
    %dma_wait3A_109 = arith.constant 0 : i32
    %dma_wait3A_110 = arith.constant 0 : i32
    %dma_wait3A_111 = tpu.memref_slice %arg4[%dma_wait3A_104, %dma_wait3A_109, %dma_wait3A_110] : memref<640x1280x32xf32, #tpu.memory_space<hbm>> -> memref<1x1280x32xf32, #tpu.memory_space<hbm>>
    %dma_wait3A_112 = tpu.memref_squeeze %dma_wait3A_111 : memref<1x1280x32xf32, #tpu.memory_space<hbm>> -> memref<1280x32xf32, #tpu.memory_space<hbm>>
    tpu.wait_dma2 semaphore(%arg10 : memref<!tpu.dma_semaphore, #tpu.memory_space<semaphore_mem>>) src(%arg6 : memref<1280x32xf32, #tpu.memory_space<vmem>>) dst(%dma_wait3A_112 : memref<1280x32xf32, #tpu.memory_space<hbm>>)
    %dma_start3A_113 = arith.constant 4 : i32
    %dma_start3A_114 = arith.constant 0 : i32
    %dma_start3A_115 = tpu.memref_slice %arg5[%dma_start3A_113, %dma_start3A_114] : memref<20x1280xi32, #tpu.memory_space<vmem>> -> memref<1x1280xi32, #tpu.memory_space<vmem>>
    %dma_start3A_116 = tpu.memref_squeeze %dma_start3A_115 : memref<1x1280xi32, #tpu.memory_space<vmem>> -> memref<1280xi32, #tpu.memory_space<vmem>>
    %dma_start3A_117 = arith.constant 0 : i32
    %dma_start3A_118 = arith.constant 0 : i32
    %dma_start3A_119 = tpu.memref_slice %arg3[%dma_start3A_117, %dma_start3A_118] : memref<1000000x32xf32, #tpu.memory_space<hbm>> -> memref<1000000x32xf32, #tpu.memory_space<hbm>>
    tpu.enqueue_indirect_dma source(%dma_start3A_119 : memref<1000000x32xf32, #tpu.memory_space<hbm>>) target(%arg6 : memref<1280x32xf32, #tpu.memory_space<vmem>>) offsets(%dma_start3A_116 : memref<1280xi32, #tpu.memory_space<vmem>>) semaphore(%arg8 : memref<!tpu.dma_semaphore, #tpu.memory_space<semaphore_mem>>)
    %dma_wait3A_120 = arith.constant 0 : i32
    %dma_wait3A_121 = arith.constant 0 : i32
    %dma_wait3A_122 = arith.constant 0 : i32
    %dma_wait3A_123 = tpu.memref_slice %arg4[%dma_wait3A_120, %dma_wait3A_121, %dma_wait3A_122] : memref<640x1280x32xf32, #tpu.memory_space<hbm>> -> memref<1x1280x32xf32, #tpu.memory_space<hbm>>
    %dma_wait3A_124 = tpu.memref_squeeze %dma_wait3A_123 : memref<1x1280x32xf32, #tpu.memory_space<hbm>> -> memref<1280x32xf32, #tpu.memory_space<hbm>>
    %dma_wait3A_125 = arith.constant 0 : i32
    %dma_wait3A_126 = arith.constant 0 : i32
    %dma_wait3A_127 = tpu.memref_slice %arg4[%dma_wait3A_120, %dma_wait3A_125, %dma_wait3A_126] : memref<640x1280x32xf32, #tpu.memory_space<hbm>> -> memref<1x1280x32xf32, #tpu.memory_space<hbm>>
    %dma_wait3A_128 = tpu.memref_squeeze %dma_wait3A_127 : memref<1x1280x32xf32, #tpu.memory_space<hbm>> -> memref<1280x32xf32, #tpu.memory_space<hbm>>
    tpu.wait_dma2 semaphore(%arg9 : memref<!tpu.dma_semaphore, #tpu.memory_space<semaphore_mem>>) src(%dma_wait3A_128 : memref<1280x32xf32, #tpu.memory_space<hbm>>) dst(%arg7 : memref<1280x32xf32, #tpu.memory_space<vmem>>)
    %add3A_129 = arith.constant 3 : i32
    %add3A_130 = arith.addi %mul3A_2, %add3A_129 : i32
    %dma_start3A_131 = arith.constant 0 : i32
    %dma_start3A_132 = arith.constant 0 : i32
    %dma_start3A_133 = tpu.memref_slice %arg4[%add3A_130, %dma_start3A_131, %dma_start3A_132] : memref<640x1280x32xf32, #tpu.memory_space<hbm>> -> memref<1x1280x32xf32, #tpu.memory_space<hbm>>
    %dma_start3A_134 = tpu.memref_squeeze %dma_start3A_133 : memref<1x1280x32xf32, #tpu.memory_space<hbm>> -> memref<1280x32xf32, #tpu.memory_space<hbm>>
    %dma_start3A_135 = arith.constant 0 : i32
    %dma_start3A_136 = arith.constant 0 : i32
    %dma_start3A_137 = tpu.memref_slice %arg4[%add3A_130, %dma_start3A_135, %dma_start3A_136] : memref<640x1280x32xf32, #tpu.memory_space<hbm>> -> memref<1x1280x32xf32, #tpu.memory_space<hbm>>
    %dma_start3A_138 = tpu.memref_squeeze %dma_start3A_137 : memref<1x1280x32xf32, #tpu.memory_space<hbm>> -> memref<1280x32xf32, #tpu.memory_space<hbm>>
    tpu.enqueue_dma source(%arg7 : memref<1280x32xf32, #tpu.memory_space<vmem>>) target(%dma_start3A_138 : memref<1280x32xf32, #tpu.memory_space<hbm>>) target_semaphore(%arg11 : memref<!tpu.dma_semaphore, #tpu.memory_space<semaphore_mem>>)
    %dma_wait3A_139 = arith.constant 0 : i32
    %dma_wait3A_140 = arith.constant 0 : i32
    %dma_wait3A_141 = arith.constant 0 : i32
    %dma_wait3A_142 = tpu.memref_slice %arg4[%dma_wait3A_139, %dma_wait3A_140, %dma_wait3A_141] : memref<640x1280x32xf32, #tpu.memory_space<hbm>> -> memref<1x1280x32xf32, #tpu.memory_space<hbm>>
    %dma_wait3A_143 = tpu.memref_squeeze %dma_wait3A_142 : memref<1x1280x32xf32, #tpu.memory_space<hbm>> -> memref<1280x32xf32, #tpu.memory_space<hbm>>
    %dma_wait3A_144 = arith.constant 0 : i32
    %dma_wait3A_145 = arith.constant 0 : i32
    %dma_wait3A_146 = tpu.memref_slice %arg4[%dma_wait3A_139, %dma_wait3A_144, %dma_wait3A_145] : memref<640x1280x32xf32, #tpu.memory_space<hbm>> -> memref<1x1280x32xf32, #tpu.memory_space<hbm>>
    %dma_wait3A_147 = tpu.memref_squeeze %dma_wait3A_146 : memref<1x1280x32xf32, #tpu.memory_space<hbm>> -> memref<1280x32xf32, #tpu.memory_space<hbm>>
    tpu.wait_dma2 semaphore(%arg11 : memref<!tpu.dma_semaphore, #tpu.memory_space<semaphore_mem>>) src(%arg7 : memref<1280x32xf32, #tpu.memory_space<vmem>>) dst(%dma_wait3A_147 : memref<1280x32xf32, #tpu.memory_space<hbm>>)
    %dma_start3A_148 = arith.constant 5 : i32
    %dma_start3A_149 = arith.constant 0 : i32
    %dma_start3A_150 = tpu.memref_slice %arg5[%dma_start3A_148, %dma_start3A_149] : memref<20x1280xi32, #tpu.memory_space<vmem>> -> memref<1x1280xi32, #tpu.memory_space<vmem>>
    %dma_start3A_151 = tpu.memref_squeeze %dma_start3A_150 : memref<1x1280xi32, #tpu.memory_space<vmem>> -> memref<1280xi32, #tpu.memory_space<vmem>>
    %dma_start3A_152 = arith.constant 0 : i32
    %dma_start3A_153 = arith.constant 0 : i32
    %dma_start3A_154 = tpu.memref_slice %arg3[%dma_start3A_152, %dma_start3A_153] : memref<1000000x32xf32, #tpu.memory_space<hbm>> -> memref<1000000x32xf32, #tpu.memory_space<hbm>>
    tpu.enqueue_indirect_dma source(%dma_start3A_154 : memref<1000000x32xf32, #tpu.memory_space<hbm>>) target(%arg7 : memref<1280x32xf32, #tpu.memory_space<vmem>>) offsets(%dma_start3A_151 : memref<1280xi32, #tpu.memory_space<vmem>>) semaphore(%arg9 : memref<!tpu.dma_semaphore, #tpu.memory_space<semaphore_mem>>)
    %dma_wait3A_155 = arith.constant 0 : i32
    %dma_wait3A_156 = arith.constant 0 : i32
    %dma_wait3A_157 = arith.constant 0 : i32
    %dma_wait3A_158 = tpu.memref_slice %arg4[%dma_wait3A_155, %dma_wait3A_156, %dma_wait3A_157] : memref<640x1280x32xf32, #tpu.memory_space<hbm>> -> memref<1x1280x32xf32, #tpu.memory_space<hbm>>
    %dma_wait3A_159 = tpu.memref_squeeze %dma_wait3A_158 : memref<1x1280x32xf32, #tpu.memory_space<hbm>> -> memref<1280x32xf32, #tpu.memory_space<hbm>>
    %dma_wait3A_160 = arith.constant 0 : i32
    %dma_wait3A_161 = arith.constant 0 : i32
    %dma_wait3A_162 = tpu.memref_slice %arg4[%dma_wait3A_155, %dma_wait3A_160, %dma_wait3A_161] : memref<640x1280x32xf32, #tpu.memory_space<hbm>> -> memref<1x1280x32xf32, #tpu.memory_space<hbm>>
    %dma_wait3A_163 = tpu.memref_squeeze %dma_wait3A_162 : memref<1x1280x32xf32, #tpu.memory_space<hbm>> -> memref<1280x32xf32, #tpu.memory_space<hbm>>
    tpu.wait_dma2 semaphore(%arg8 : memref<!tpu.dma_semaphore, #tpu.memory_space<semaphore_mem>>) src(%dma_wait3A_163 : memref<1280x32xf32, #tpu.memory_space<hbm>>) dst(%arg6 : memref<1280x32xf32, #tpu.memory_space<vmem>>)
    %add3A_164 = arith.constant 4 : i32
    %add3A_165 = arith.addi %mul3A_2, %add3A_164 : i32
    %dma_start3A_166 = arith.constant 0 : i32
    %dma_start3A_167 = arith.constant 0 : i32
    %dma_start3A_168 = tpu.memref_slice %arg4[%add3A_165, %dma_start3A_166, %dma_start3A_167] : memref<640x1280x32xf32, #tpu.memory_space<hbm>> -> memref<1x1280x32xf32, #tpu.memory_space<hbm>>
    %dma_start3A_169 = tpu.memref_squeeze %dma_start3A_168 : memref<1x1280x32xf32, #tpu.memory_space<hbm>> -> memref<1280x32xf32, #tpu.memory_space<hbm>>
    %dma_start3A_170 = arith.constant 0 : i32
    %dma_start3A_171 = arith.constant 0 : i32
    %dma_start3A_172 = tpu.memref_slice %arg4[%add3A_165, %dma_start3A_170, %dma_start3A_171] : memref<640x1280x32xf32, #tpu.memory_space<hbm>> -> memref<1x1280x32xf32, #tpu.memory_space<hbm>>
    %dma_start3A_173 = tpu.memref_squeeze %dma_start3A_172 : memref<1x1280x32xf32, #tpu.memory_space<hbm>> -> memref<1280x32xf32, #tpu.memory_space<hbm>>
    tpu.enqueue_dma source(%arg6 : memref<1280x32xf32, #tpu.memory_space<vmem>>) target(%dma_start3A_173 : memref<1280x32xf32, #tpu.memory_space<hbm>>) target_semaphore(%arg10 : memref<!tpu.dma_semaphore, #tpu.memory_space<semaphore_mem>>)
    %dma_wait3A_174 = arith.constant 0 : i32
    %dma_wait3A_175 = arith.constant 0 : i32
    %dma_wait3A_176 = arith.constant 0 : i32
    %dma_wait3A_177 = tpu.memref_slice %arg4[%dma_wait3A_174, %dma_wait3A_175, %dma_wait3A_176] : memref<640x1280x32xf32, #tpu.memory_space<hbm>> -> memref<1x1280x32xf32, #tpu.memory_space<hbm>>
    %dma_wait3A_178 = tpu.memref_squeeze %dma_wait3A_177 : memref<1x1280x32xf32, #tpu.memory_space<hbm>> -> memref<1280x32xf32, #tpu.memory_space<hbm>>
    %dma_wait3A_179 = arith.constant 0 : i32
    %dma_wait3A_180 = arith.constant 0 : i32
    %dma_wait3A_181 = tpu.memref_slice %arg4[%dma_wait3A_174, %dma_wait3A_179, %dma_wait3A_180] : memref<640x1280x32xf32, #tpu.memory_space<hbm>> -> memref<1x1280x32xf32, #tpu.memory_space<hbm>>
    %dma_wait3A_182 = tpu.memref_squeeze %dma_wait3A_181 : memref<1x1280x32xf32, #tpu.memory_space<hbm>> -> memref<1280x32xf32, #tpu.memory_space<hbm>>
    tpu.wait_dma2 semaphore(%arg10 : memref<!tpu.dma_semaphore, #tpu.memory_space<semaphore_mem>>) src(%arg6 : memref<1280x32xf32, #tpu.memory_space<vmem>>) dst(%dma_wait3A_182 : memref<1280x32xf32, #tpu.memory_space<hbm>>)
    %dma_start3A_183 = arith.constant 6 : i32
    %dma_start3A_184 = arith.constant 0 : i32
    %dma_start3A_185 = tpu.memref_slice %arg5[%dma_start3A_183, %dma_start3A_184] : memref<20x1280xi32, #tpu.memory_space<vmem>> -> memref<1x1280xi32, #tpu.memory_space<vmem>>
    %dma_start3A_186 = tpu.memref_squeeze %dma_start3A_185 : memref<1x1280xi32, #tpu.memory_space<vmem>> -> memref<1280xi32, #tpu.memory_space<vmem>>
    %dma_start3A_187 = arith.constant 0 : i32
    %dma_start3A_188 = arith.constant 0 : i32
    %dma_start3A_189 = tpu.memref_slice %arg3[%dma_start3A_187, %dma_start3A_188] : memref<1000000x32xf32, #tpu.memory_space<hbm>> -> memref<1000000x32xf32, #tpu.memory_space<hbm>>
    tpu.enqueue_indirect_dma source(%dma_start3A_189 : memref<1000000x32xf32, #tpu.memory_space<hbm>>) target(%arg6 : memref<1280x32xf32, #tpu.memory_space<vmem>>) offsets(%dma_start3A_186 : memref<1280xi32, #tpu.memory_space<vmem>>) semaphore(%arg8 : memref<!tpu.dma_semaphore, #tpu.memory_space<semaphore_mem>>)
    %dma_wait3A_190 = arith.constant 0 : i32
    %dma_wait3A_191 = arith.constant 0 : i32
    %dma_wait3A_192 = arith.constant 0 : i32
    %dma_wait3A_193 = tpu.memref_slice %arg4[%dma_wait3A_190, %dma_wait3A_191, %dma_wait3A_192] : memref<640x1280x32xf32, #tpu.memory_space<hbm>> -> memref<1x1280x32xf32, #tpu.memory_space<hbm>>
    %dma_wait3A_194 = tpu.memref_squeeze %dma_wait3A_193 : memref<1x1280x32xf32, #tpu.memory_space<hbm>> -> memref<1280x32xf32, #tpu.memory_space<hbm>>
    %dma_wait3A_195 = arith.constant 0 : i32
    %dma_wait3A_196 = arith.constant 0 : i32
    %dma_wait3A_197 = tpu.memref_slice %arg4[%dma_wait3A_190, %dma_wait3A_195, %dma_wait3A_196] : memref<640x1280x32xf32, #tpu.memory_space<hbm>> -> memref<1x1280x32xf32, #tpu.memory_space<hbm>>
    %dma_wait3A_198 = tpu.memref_squeeze %dma_wait3A_197 : memref<1x1280x32xf32, #tpu.memory_space<hbm>> -> memref<1280x32xf32, #tpu.memory_space<hbm>>
    tpu.wait_dma2 semaphore(%arg9 : memref<!tpu.dma_semaphore, #tpu.memory_space<semaphore_mem>>) src(%dma_wait3A_198 : memref<1280x32xf32, #tpu.memory_space<hbm>>) dst(%arg7 : memref<1280x32xf32, #tpu.memory_space<vmem>>)
    %add3A_199 = arith.constant 5 : i32
    %add3A_200 = arith.addi %mul3A_2, %add3A_199 : i32
    %dma_start3A_201 = arith.constant 0 : i32
    %dma_start3A_202 = arith.constant 0 : i32
    %dma_start3A_203 = tpu.memref_slice %arg4[%add3A_200, %dma_start3A_201, %dma_start3A_202] : memref<640x1280x32xf32, #tpu.memory_space<hbm>> -> memref<1x1280x32xf32, #tpu.memory_space<hbm>>
    %dma_start3A_204 = tpu.memref_squeeze %dma_start3A_203 : memref<1x1280x32xf32, #tpu.memory_space<hbm>> -> memref<1280x32xf32, #tpu.memory_space<hbm>>
    %dma_start3A_205 = arith.constant 0 : i32
    %dma_start3A_206 = arith.constant 0 : i32
    %dma_start3A_207 = tpu.memref_slice %arg4[%add3A_200, %dma_start3A_205, %dma_start3A_206] : memref<640x1280x32xf32, #tpu.memory_space<hbm>> -> memref<1x1280x32xf32, #tpu.memory_space<hbm>>
    %dma_start3A_208 = tpu.memref_squeeze %dma_start3A_207 : memref<1x1280x32xf32, #tpu.memory_space<hbm>> -> memref<1280x32xf32, #tpu.memory_space<hbm>>
    tpu.enqueue_dma source(%arg7 : memref<1280x32xf32, #tpu.memory_space<vmem>>) target(%dma_start3A_208 : memref<1280x32xf32, #tpu.memory_space<hbm>>) target_semaphore(%arg11 : memref<!tpu.dma_semaphore, #tpu.memory_space<semaphore_mem>>)
    %dma_wait3A_209 = arith.constant 0 : i32
    %dma_wait3A_210 = arith.constant 0 : i32
    %dma_wait3A_211 = arith.constant 0 : i32
    %dma_wait3A_212 = tpu.memref_slice %arg4[%dma_wait3A_209, %dma_wait3A_210, %dma_wait3A_211] : memref<640x1280x32xf32, #tpu.memory_space<hbm>> -> memref<1x1280x32xf32, #tpu.memory_space<hbm>>
    %dma_wait3A_213 = tpu.memref_squeeze %dma_wait3A_212 : memref<1x1280x32xf32, #tpu.memory_space<hbm>> -> memref<1280x32xf32, #tpu.memory_space<hbm>>
    %dma_wait3A_214 = arith.constant 0 : i32
    %dma_wait3A_215 = arith.constant 0 : i32
    %dma_wait3A_216 = tpu.memref_slice %arg4[%dma_wait3A_209, %dma_wait3A_214, %dma_wait3A_215] : memref<640x1280x32xf32, #tpu.memory_space<hbm>> -> memref<1x1280x32xf32, #tpu.memory_space<hbm>>
    %dma_wait3A_217 = tpu.memref_squeeze %dma_wait3A_216 : memref<1x1280x32xf32, #tpu.memory_space<hbm>> -> memref<1280x32xf32, #tpu.memory_space<hbm>>
    tpu.wait_dma2 semaphore(%arg11 : memref<!tpu.dma_semaphore, #tpu.memory_space<semaphore_mem>>) src(%arg7 : memref<1280x32xf32, #tpu.memory_space<vmem>>) dst(%dma_wait3A_217 : memref<1280x32xf32, #tpu.memory_space<hbm>>)
    %dma_start3A_218 = arith.constant 7 : i32
    %dma_start3A_219 = arith.constant 0 : i32
    %dma_start3A_220 = tpu.memref_slice %arg5[%dma_start3A_218, %dma_start3A_219] : memref<20x1280xi32, #tpu.memory_space<vmem>> -> memref<1x1280xi32, #tpu.memory_space<vmem>>
    %dma_start3A_221 = tpu.memref_squeeze %dma_start3A_220 : memref<1x1280xi32, #tpu.memory_space<vmem>> -> memref<1280xi32, #tpu.memory_space<vmem>>
    %dma_start3A_222 = arith.constant 0 : i32
    %dma_start3A_223 = arith.constant 0 : i32
    %dma_start3A_224 = tpu.memref_slice %arg3[%dma_start3A_222, %dma_start3A_223] : memref<1000000x32xf32, #tpu.memory_space<hbm>> -> memref<1000000x32xf32, #tpu.memory_space<hbm>>
    tpu.enqueue_indirect_dma source(%dma_start3A_224 : memref<1000000x32xf32, #tpu.memory_space<hbm>>) target(%arg7 : memref<1280x32xf32, #tpu.memory_space<vmem>>) offsets(%dma_start3A_221 : memref<1280xi32, #tpu.memory_space<vmem>>) semaphore(%arg9 : memref<!tpu.dma_semaphore, #tpu.memory_space<semaphore_mem>>)
    %dma_wait3A_225 = arith.constant 0 : i32
    %dma_wait3A_226 = arith.constant 0 : i32
    %dma_wait3A_227 = arith.constant 0 : i32
    %dma_wait3A_228 = tpu.memref_slice %arg4[%dma_wait3A_225, %dma_wait3A_226, %dma_wait3A_227] : memref<640x1280x32xf32, #tpu.memory_space<hbm>> -> memref<1x1280x32xf32, #tpu.memory_space<hbm>>
    %dma_wait3A_229 = tpu.memref_squeeze %dma_wait3A_228 : memref<1x1280x32xf32, #tpu.memory_space<hbm>> -> memref<1280x32xf32, #tpu.memory_space<hbm>>
    %dma_wait3A_230 = arith.constant 0 : i32
    %dma_wait3A_231 = arith.constant 0 : i32
    %dma_wait3A_232 = tpu.memref_slice %arg4[%dma_wait3A_225, %dma_wait3A_230, %dma_wait3A_231] : memref<640x1280x32xf32, #tpu.memory_space<hbm>> -> memref<1x1280x32xf32, #tpu.memory_space<hbm>>
    %dma_wait3A_233 = tpu.memref_squeeze %dma_wait3A_232 : memref<1x1280x32xf32, #tpu.memory_space<hbm>> -> memref<1280x32xf32, #tpu.memory_space<hbm>>
    tpu.wait_dma2 semaphore(%arg8 : memref<!tpu.dma_semaphore, #tpu.memory_space<semaphore_mem>>) src(%dma_wait3A_233 : memref<1280x32xf32, #tpu.memory_space<hbm>>) dst(%arg6 : memref<1280x32xf32, #tpu.memory_space<vmem>>)
    %add3A_234 = arith.constant 6 : i32
    %add3A_235 = arith.addi %mul3A_2, %add3A_234 : i32
    %dma_start3A_236 = arith.constant 0 : i32
    %dma_start3A_237 = arith.constant 0 : i32
    %dma_start3A_238 = tpu.memref_slice %arg4[%add3A_235, %dma_start3A_236, %dma_start3A_237] : memref<640x1280x32xf32, #tpu.memory_space<hbm>> -> memref<1x1280x32xf32, #tpu.memory_space<hbm>>
    %dma_start3A_239 = tpu.memref_squeeze %dma_start3A_238 : memref<1x1280x32xf32, #tpu.memory_space<hbm>> -> memref<1280x32xf32, #tpu.memory_space<hbm>>
    %dma_start3A_240 = arith.constant 0 : i32
    %dma_start3A_241 = arith.constant 0 : i32
    %dma_start3A_242 = tpu.memref_slice %arg4[%add3A_235, %dma_start3A_240, %dma_start3A_241] : memref<640x1280x32xf32, #tpu.memory_space<hbm>> -> memref<1x1280x32xf32, #tpu.memory_space<hbm>>
    %dma_start3A_243 = tpu.memref_squeeze %dma_start3A_242 : memref<1x1280x32xf32, #tpu.memory_space<hbm>> -> memref<1280x32xf32, #tpu.memory_space<hbm>>
    tpu.enqueue_dma source(%arg6 : memref<1280x32xf32, #tpu.memory_space<vmem>>) target(%dma_start3A_243 : memref<1280x32xf32, #tpu.memory_space<hbm>>) target_semaphore(%arg10 : memref<!tpu.dma_semaphore, #tpu.memory_space<semaphore_mem>>)
    %dma_wait3A_244 = arith.constant 0 : i32
    %dma_wait3A_245 = arith.constant 0 : i32
    %dma_wait3A_246 = arith.constant 0 : i32
    %dma_wait3A_247 = tpu.memref_slice %arg4[%dma_wait3A_244, %dma_wait3A_245, %dma_wait3A_246] : memref<640x1280x32xf32, #tpu.memory_space<hbm>> -> memref<1x1280x32xf32, #tpu.memory_space<hbm>>
    %dma_wait3A_248 = tpu.memref_squeeze %dma_wait3A_247 : memref<1x1280x32xf32, #tpu.memory_space<hbm>> -> memref<1280x32xf32, #tpu.memory_space<hbm>>
    %dma_wait3A_249 = arith.constant 0 : i32
    %dma_wait3A_250 = arith.constant 0 : i32
    %dma_wait3A_251 = tpu.memref_slice %arg4[%dma_wait3A_244, %dma_wait3A_249, %dma_wait3A_250] : memref<640x1280x32xf32, #tpu.memory_space<hbm>> -> memref<1x1280x32xf32, #tpu.memory_space<hbm>>
    %dma_wait3A_252 = tpu.memref_squeeze %dma_wait3A_251 : memref<1x1280x32xf32, #tpu.memory_space<hbm>> -> memref<1280x32xf32, #tpu.memory_space<hbm>>
    tpu.wait_dma2 semaphore(%arg10 : memref<!tpu.dma_semaphore, #tpu.memory_space<semaphore_mem>>) src(%arg6 : memref<1280x32xf32, #tpu.memory_space<vmem>>) dst(%dma_wait3A_252 : memref<1280x32xf32, #tpu.memory_space<hbm>>)
    %dma_start3A_253 = arith.constant 8 : i32
    %dma_start3A_254 = arith.constant 0 : i32
    %dma_start3A_255 = tpu.memref_slice %arg5[%dma_start3A_253, %dma_start3A_254] : memref<20x1280xi32, #tpu.memory_space<vmem>> -> memref<1x1280xi32, #tpu.memory_space<vmem>>
    %dma_start3A_256 = tpu.memref_squeeze %dma_start3A_255 : memref<1x1280xi32, #tpu.memory_space<vmem>> -> memref<1280xi32, #tpu.memory_space<vmem>>
    %dma_start3A_257 = arith.constant 0 : i32
    %dma_start3A_258 = arith.constant 0 : i32
    %dma_start3A_259 = tpu.memref_slice %arg3[%dma_start3A_257, %dma_start3A_258] : memref<1000000x32xf32, #tpu.memory_space<hbm>> -> memref<1000000x32xf32, #tpu.memory_space<hbm>>
    tpu.enqueue_indirect_dma source(%dma_start3A_259 : memref<1000000x32xf32, #tpu.memory_space<hbm>>) target(%arg6 : memref<1280x32xf32, #tpu.memory_space<vmem>>) offsets(%dma_start3A_256 : memref<1280xi32, #tpu.memory_space<vmem>>) semaphore(%arg8 : memref<!tpu.dma_semaphore, #tpu.memory_space<semaphore_mem>>)
    %dma_wait3A_260 = arith.constant 0 : i32
    %dma_wait3A_261 = arith.constant 0 : i32
    %dma_wait3A_262 = arith.constant 0 : i32
    %dma_wait3A_263 = tpu.memref_slice %arg4[%dma_wait3A_260, %dma_wait3A_261, %dma_wait3A_262] : memref<640x1280x32xf32, #tpu.memory_space<hbm>> -> memref<1x1280x32xf32, #tpu.memory_space<hbm>>
    %dma_wait3A_264 = tpu.memref_squeeze %dma_wait3A_263 : memref<1x1280x32xf32, #tpu.memory_space<hbm>> -> memref<1280x32xf32, #tpu.memory_space<hbm>>
    %dma_wait3A_265 = arith.constant 0 : i32
    %dma_wait3A_266 = arith.constant 0 : i32
    %dma_wait3A_267 = tpu.memref_slice %arg4[%dma_wait3A_260, %dma_wait3A_265, %dma_wait3A_266] : memref<640x1280x32xf32, #tpu.memory_space<hbm>> -> memref<1x1280x32xf32, #tpu.memory_space<hbm>>
    %dma_wait3A_268 = tpu.memref_squeeze %dma_wait3A_267 : memref<1x1280x32xf32, #tpu.memory_space<hbm>> -> memref<1280x32xf32, #tpu.memory_space<hbm>>
    tpu.wait_dma2 semaphore(%arg9 : memref<!tpu.dma_semaphore, #tpu.memory_space<semaphore_mem>>) src(%dma_wait3A_268 : memref<1280x32xf32, #tpu.memory_space<hbm>>) dst(%arg7 : memref<1280x32xf32, #tpu.memory_space<vmem>>)
    %add3A_269 = arith.constant 7 : i32
    %add3A_270 = arith.addi %mul3A_2, %add3A_269 : i32
    %dma_start3A_271 = arith.constant 0 : i32
    %dma_start3A_272 = arith.constant 0 : i32
    %dma_start3A_273 = tpu.memref_slice %arg4[%add3A_270, %dma_start3A_271, %dma_start3A_272] : memref<640x1280x32xf32, #tpu.memory_space<hbm>> -> memref<1x1280x32xf32, #tpu.memory_space<hbm>>
    %dma_start3A_274 = tpu.memref_squeeze %dma_start3A_273 : memref<1x1280x32xf32, #tpu.memory_space<hbm>> -> memref<1280x32xf32, #tpu.memory_space<hbm>>
    %dma_start3A_275 = arith.constant 0 : i32
    %dma_start3A_276 = arith.constant 0 : i32
    %dma_start3A_277 = tpu.memref_slice %arg4[%add3A_270, %dma_start3A_275, %dma_start3A_276] : memref<640x1280x32xf32, #tpu.memory_space<hbm>> -> memref<1x1280x32xf32, #tpu.memory_space<hbm>>
    %dma_start3A_278 = tpu.memref_squeeze %dma_start3A_277 : memref<1x1280x32xf32, #tpu.memory_space<hbm>> -> memref<1280x32xf32, #tpu.memory_space<hbm>>
    tpu.enqueue_dma source(%arg7 : memref<1280x32xf32, #tpu.memory_space<vmem>>) target(%dma_start3A_278 : memref<1280x32xf32, #tpu.memory_space<hbm>>) target_semaphore(%arg11 : memref<!tpu.dma_semaphore, #tpu.memory_space<semaphore_mem>>)
    %dma_wait3A_279 = arith.constant 0 : i32
    %dma_wait3A_280 = arith.constant 0 : i32
    %dma_wait3A_281 = arith.constant 0 : i32
    %dma_wait3A_282 = tpu.memref_slice %arg4[%dma_wait3A_279, %dma_wait3A_280, %dma_wait3A_281] : memref<640x1280x32xf32, #tpu.memory_space<hbm>> -> memref<1x1280x32xf32, #tpu.memory_space<hbm>>
    %dma_wait3A_283 = tpu.memref_squeeze %dma_wait3A_282 : memref<1x1280x32xf32, #tpu.memory_space<hbm>> -> memref<1280x32xf32, #tpu.memory_space<hbm>>
    %dma_wait3A_284 = arith.constant 0 : i32
    %dma_wait3A_285 = arith.constant 0 : i32
    %dma_wait3A_286 = tpu.memref_slice %arg4[%dma_wait3A_279, %dma_wait3A_284, %dma_wait3A_285] : memref<640x1280x32xf32, #tpu.memory_space<hbm>> -> memref<1x1280x32xf32, #tpu.memory_space<hbm>>
    %dma_wait3A_287 = tpu.memref_squeeze %dma_wait3A_286 : memref<1x1280x32xf32, #tpu.memory_space<hbm>> -> memref<1280x32xf32, #tpu.memory_space<hbm>>
    tpu.wait_dma2 semaphore(%arg11 : memref<!tpu.dma_semaphore, #tpu.memory_space<semaphore_mem>>) src(%arg7 : memref<1280x32xf32, #tpu.memory_space<vmem>>) dst(%dma_wait3A_287 : memref<1280x32xf32, #tpu.memory_space<hbm>>)
    %dma_start3A_288 = arith.constant 9 : i32
    %dma_start3A_289 = arith.constant 0 : i32
    %dma_start3A_290 = tpu.memref_slice %arg5[%dma_start3A_288, %dma_start3A_289] : memref<20x1280xi32, #tpu.memory_space<vmem>> -> memref<1x1280xi32, #tpu.memory_space<vmem>>
    %dma_start3A_291 = tpu.memref_squeeze %dma_start3A_290 : memref<1x1280xi32, #tpu.memory_space<vmem>> -> memref<1280xi32, #tpu.memory_space<vmem>>
    %dma_start3A_292 = arith.constant 0 : i32
    %dma_start3A_293 = arith.constant 0 : i32
    %dma_start3A_294 = tpu.memref_slice %arg3[%dma_start3A_292, %dma_start3A_293] : memref<1000000x32xf32, #tpu.memory_space<hbm>> -> memref<1000000x32xf32, #tpu.memory_space<hbm>>
    tpu.enqueue_indirect_dma source(%dma_start3A_294 : memref<1000000x32xf32, #tpu.memory_space<hbm>>) target(%arg7 : memref<1280x32xf32, #tpu.memory_space<vmem>>) offsets(%dma_start3A_291 : memref<1280xi32, #tpu.memory_space<vmem>>) semaphore(%arg9 : memref<!tpu.dma_semaphore, #tpu.memory_space<semaphore_mem>>)
    %dma_wait3A_295 = arith.constant 0 : i32
    %dma_wait3A_296 = arith.constant 0 : i32
    %dma_wait3A_297 = arith.constant 0 : i32
    %dma_wait3A_298 = tpu.memref_slice %arg4[%dma_wait3A_295, %dma_wait3A_296, %dma_wait3A_297] : memref<640x1280x32xf32, #tpu.memory_space<hbm>> -> memref<1x1280x32xf32, #tpu.memory_space<hbm>>
    %dma_wait3A_299 = tpu.memref_squeeze %dma_wait3A_298 : memref<1x1280x32xf32, #tpu.memory_space<hbm>> -> memref<1280x32xf32, #tpu.memory_space<hbm>>
    %dma_wait3A_300 = arith.constant 0 : i32
    %dma_wait3A_301 = arith.constant 0 : i32
    %dma_wait3A_302 = tpu.memref_slice %arg4[%dma_wait3A_295, %dma_wait3A_300, %dma_wait3A_301] : memref<640x1280x32xf32, #tpu.memory_space<hbm>> -> memref<1x1280x32xf32, #tpu.memory_space<hbm>>
    %dma_wait3A_303 = tpu.memref_squeeze %dma_wait3A_302 : memref<1x1280x32xf32, #tpu.memory_space<hbm>> -> memref<1280x32xf32, #tpu.memory_space<hbm>>
    tpu.wait_dma2 semaphore(%arg8 : memref<!tpu.dma_semaphore, #tpu.memory_space<semaphore_mem>>) src(%dma_wait3A_303 : memref<1280x32xf32, #tpu.memory_space<hbm>>) dst(%arg6 : memref<1280x32xf32, #tpu.memory_space<vmem>>)
    %add3A_304 = arith.constant 8 : i32
    %add3A_305 = arith.addi %mul3A_2, %add3A_304 : i32
    %dma_start3A_306 = arith.constant 0 : i32
    %dma_start3A_307 = arith.constant 0 : i32
    %dma_start3A_308 = tpu.memref_slice %arg4[%add3A_305, %dma_start3A_306, %dma_start3A_307] : memref<640x1280x32xf32, #tpu.memory_space<hbm>> -> memref<1x1280x32xf32, #tpu.memory_space<hbm>>
    %dma_start3A_309 = tpu.memref_squeeze %dma_start3A_308 : memref<1x1280x32xf32, #tpu.memory_space<hbm>> -> memref<1280x32xf32, #tpu.memory_space<hbm>>
    %dma_start3A_310 = arith.constant 0 : i32
    %dma_start3A_311 = arith.constant 0 : i32
    %dma_start3A_312 = tpu.memref_slice %arg4[%add3A_305, %dma_start3A_310, %dma_start3A_311] : memref<640x1280x32xf32, #tpu.memory_space<hbm>> -> memref<1x1280x32xf32, #tpu.memory_space<hbm>>
    %dma_start3A_313 = tpu.memref_squeeze %dma_start3A_312 : memref<1x1280x32xf32, #tpu.memory_space<hbm>> -> memref<1280x32xf32, #tpu.memory_space<hbm>>
    tpu.enqueue_dma source(%arg6 : memref<1280x32xf32, #tpu.memory_space<vmem>>) target(%dma_start3A_313 : memref<1280x32xf32, #tpu.memory_space<hbm>>) target_semaphore(%arg10 : memref<!tpu.dma_semaphore, #tpu.memory_space<semaphore_mem>>)
    %dma_wait3A_314 = arith.constant 0 : i32
    %dma_wait3A_315 = arith.constant 0 : i32
    %dma_wait3A_316 = arith.constant 0 : i32
    %dma_wait3A_317 = tpu.memref_slice %arg4[%dma_wait3A_314, %dma_wait3A_315, %dma_wait3A_316] : memref<640x1280x32xf32, #tpu.memory_space<hbm>> -> memref<1x1280x32xf32, #tpu.memory_space<hbm>>
    %dma_wait3A_318 = tpu.memref_squeeze %dma_wait3A_317 : memref<1x1280x32xf32, #tpu.memory_space<hbm>> -> memref<1280x32xf32, #tpu.memory_space<hbm>>
    %dma_wait3A_319 = arith.constant 0 : i32
    %dma_wait3A_320 = arith.constant 0 : i32
    %dma_wait3A_321 = tpu.memref_slice %arg4[%dma_wait3A_314, %dma_wait3A_319, %dma_wait3A_320] : memref<640x1280x32xf32, #tpu.memory_space<hbm>> -> memref<1x1280x32xf32, #tpu.memory_space<hbm>>
    %dma_wait3A_322 = tpu.memref_squeeze %dma_wait3A_321 : memref<1x1280x32xf32, #tpu.memory_space<hbm>> -> memref<1280x32xf32, #tpu.memory_space<hbm>>
    tpu.wait_dma2 semaphore(%arg10 : memref<!tpu.dma_semaphore, #tpu.memory_space<semaphore_mem>>) src(%arg6 : memref<1280x32xf32, #tpu.memory_space<vmem>>) dst(%dma_wait3A_322 : memref<1280x32xf32, #tpu.memory_space<hbm>>)
    %dma_start3A_323 = arith.constant 10 : i32
    %dma_start3A_324 = arith.constant 0 : i32
    %dma_start3A_325 = tpu.memref_slice %arg5[%dma_start3A_323, %dma_start3A_324] : memref<20x1280xi32, #tpu.memory_space<vmem>> -> memref<1x1280xi32, #tpu.memory_space<vmem>>
    %dma_start3A_326 = tpu.memref_squeeze %dma_start3A_325 : memref<1x1280xi32, #tpu.memory_space<vmem>> -> memref<1280xi32, #tpu.memory_space<vmem>>
    %dma_start3A_327 = arith.constant 0 : i32
    %dma_start3A_328 = arith.constant 0 : i32
    %dma_start3A_329 = tpu.memref_slice %arg3[%dma_start3A_327, %dma_start3A_328] : memref<1000000x32xf32, #tpu.memory_space<hbm>> -> memref<1000000x32xf32, #tpu.memory_space<hbm>>
    tpu.enqueue_indirect_dma source(%dma_start3A_329 : memref<1000000x32xf32, #tpu.memory_space<hbm>>) target(%arg6 : memref<1280x32xf32, #tpu.memory_space<vmem>>) offsets(%dma_start3A_326 : memref<1280xi32, #tpu.memory_space<vmem>>) semaphore(%arg8 : memref<!tpu.dma_semaphore, #tpu.memory_space<semaphore_mem>>)
    %dma_wait3A_330 = arith.constant 0 : i32
    %dma_wait3A_331 = arith.constant 0 : i32
    %dma_wait3A_332 = arith.constant 0 : i32
    %dma_wait3A_333 = tpu.memref_slice %arg4[%dma_wait3A_330, %dma_wait3A_331, %dma_wait3A_332] : memref<640x1280x32xf32, #tpu.memory_space<hbm>> -> memref<1x1280x32xf32, #tpu.memory_space<hbm>>
    %dma_wait3A_334 = tpu.memref_squeeze %dma_wait3A_333 : memref<1x1280x32xf32, #tpu.memory_space<hbm>> -> memref<1280x32xf32, #tpu.memory_space<hbm>>
    %dma_wait3A_335 = arith.constant 0 : i32
    %dma_wait3A_336 = arith.constant 0 : i32
    %dma_wait3A_337 = tpu.memref_slice %arg4[%dma_wait3A_330, %dma_wait3A_335, %dma_wait3A_336] : memref<640x1280x32xf32, #tpu.memory_space<hbm>> -> memref<1x1280x32xf32, #tpu.memory_space<hbm>>
    %dma_wait3A_338 = tpu.memref_squeeze %dma_wait3A_337 : memref<1x1280x32xf32, #tpu.memory_space<hbm>> -> memref<1280x32xf32, #tpu.memory_space<hbm>>
    tpu.wait_dma2 semaphore(%arg9 : memref<!tpu.dma_semaphore, #tpu.memory_space<semaphore_mem>>) src(%dma_wait3A_338 : memref<1280x32xf32, #tpu.memory_space<hbm>>) dst(%arg7 : memref<1280x32xf32, #tpu.memory_space<vmem>>)
    %add3A_339 = arith.constant 9 : i32
    %add3A_340 = arith.addi %mul3A_2, %add3A_339 : i32
    %dma_start3A_341 = arith.constant 0 : i32
    %dma_start3A_342 = arith.constant 0 : i32
    %dma_start3A_343 = tpu.memref_slice %arg4[%add3A_340, %dma_start3A_341, %dma_start3A_342] : memref<640x1280x32xf32, #tpu.memory_space<hbm>> -> memref<1x1280x32xf32, #tpu.memory_space<hbm>>
    %dma_start3A_344 = tpu.memref_squeeze %dma_start3A_343 : memref<1x1280x32xf32, #tpu.memory_space<hbm>> -> memref<1280x32xf32, #tpu.memory_space<hbm>>
    %dma_start3A_345 = arith.constant 0 : i32
    %dma_start3A_346 = arith.constant 0 : i32
    %dma_start3A_347 = tpu.memref_slice %arg4[%add3A_340, %dma_start3A_345, %dma_start3A_346] : memref<640x1280x32xf32, #tpu.memory_space<hbm>> -> memref<1x1280x32xf32, #tpu.memory_space<hbm>>
    %dma_start3A_348 = tpu.memref_squeeze %dma_start3A_347 : memref<1x1280x32xf32, #tpu.memory_space<hbm>> -> memref<1280x32xf32, #tpu.memory_space<hbm>>
    tpu.enqueue_dma source(%arg7 : memref<1280x32xf32, #tpu.memory_space<vmem>>) target(%dma_start3A_348 : memref<1280x32xf32, #tpu.memory_space<hbm>>) target_semaphore(%arg11 : memref<!tpu.dma_semaphore, #tpu.memory_space<semaphore_mem>>)
    %dma_wait3A_349 = arith.constant 0 : i32
    %dma_wait3A_350 = arith.constant 0 : i32
    %dma_wait3A_351 = arith.constant 0 : i32
    %dma_wait3A_352 = tpu.memref_slice %arg4[%dma_wait3A_349, %dma_wait3A_350, %dma_wait3A_351] : memref<640x1280x32xf32, #tpu.memory_space<hbm>> -> memref<1x1280x32xf32, #tpu.memory_space<hbm>>
    %dma_wait3A_353 = tpu.memref_squeeze %dma_wait3A_352 : memref<1x1280x32xf32, #tpu.memory_space<hbm>> -> memref<1280x32xf32, #tpu.memory_space<hbm>>
    %dma_wait3A_354 = arith.constant 0 : i32
    %dma_wait3A_355 = arith.constant 0 : i32
    %dma_wait3A_356 = tpu.memref_slice %arg4[%dma_wait3A_349, %dma_wait3A_354, %dma_wait3A_355] : memref<640x1280x32xf32, #tpu.memory_space<hbm>> -> memref<1x1280x32xf32, #tpu.memory_space<hbm>>
    %dma_wait3A_357 = tpu.memref_squeeze %dma_wait3A_356 : memref<1x1280x32xf32, #tpu.memory_space<hbm>> -> memref<1280x32xf32, #tpu.memory_space<hbm>>
    tpu.wait_dma2 semaphore(%arg11 : memref<!tpu.dma_semaphore, #tpu.memory_space<semaphore_mem>>) src(%arg7 : memref<1280x32xf32, #tpu.memory_space<vmem>>) dst(%dma_wait3A_357 : memref<1280x32xf32, #tpu.memory_space<hbm>>)
    %dma_start3A_358 = arith.constant 11 : i32
    %dma_start3A_359 = arith.constant 0 : i32
    %dma_start3A_360 = tpu.memref_slice %arg5[%dma_start3A_358, %dma_start3A_359] : memref<20x1280xi32, #tpu.memory_space<vmem>> -> memref<1x1280xi32, #tpu.memory_space<vmem>>
    %dma_start3A_361 = tpu.memref_squeeze %dma_start3A_360 : memref<1x1280xi32, #tpu.memory_space<vmem>> -> memref<1280xi32, #tpu.memory_space<vmem>>
    %dma_start3A_362 = arith.constant 0 : i32
    %dma_start3A_363 = arith.constant 0 : i32
    %dma_start3A_364 = tpu.memref_slice %arg3[%dma_start3A_362, %dma_start3A_363] : memref<1000000x32xf32, #tpu.memory_space<hbm>> -> memref<1000000x32xf32, #tpu.memory_space<hbm>>
    tpu.enqueue_indirect_dma source(%dma_start3A_364 : memref<1000000x32xf32, #tpu.memory_space<hbm>>) target(%arg7 : memref<1280x32xf32, #tpu.memory_space<vmem>>) offsets(%dma_start3A_361 : memref<1280xi32, #tpu.memory_space<vmem>>) semaphore(%arg9 : memref<!tpu.dma_semaphore, #tpu.memory_space<semaphore_mem>>)
    %dma_wait3A_365 = arith.constant 0 : i32
    %dma_wait3A_366 = arith.constant 0 : i32
    %dma_wait3A_367 = arith.constant 0 : i32
    %dma_wait3A_368 = tpu.memref_slice %arg4[%dma_wait3A_365, %dma_wait3A_366, %dma_wait3A_367] : memref<640x1280x32xf32, #tpu.memory_space<hbm>> -> memref<1x1280x32xf32, #tpu.memory_space<hbm>>
    %dma_wait3A_369 = tpu.memref_squeeze %dma_wait3A_368 : memref<1x1280x32xf32, #tpu.memory_space<hbm>> -> memref<1280x32xf32, #tpu.memory_space<hbm>>
    %dma_wait3A_370 = arith.constant 0 : i32
    %dma_wait3A_371 = arith.constant 0 : i32
    %dma_wait3A_372 = tpu.memref_slice %arg4[%dma_wait3A_365, %dma_wait3A_370, %dma_wait3A_371] : memref<640x1280x32xf32, #tpu.memory_space<hbm>> -> memref<1x1280x32xf32, #tpu.memory_space<hbm>>
    %dma_wait3A_373 = tpu.memref_squeeze %dma_wait3A_372 : memref<1x1280x32xf32, #tpu.memory_space<hbm>> -> memref<1280x32xf32, #tpu.memory_space<hbm>>
    tpu.wait_dma2 semaphore(%arg8 : memref<!tpu.dma_semaphore, #tpu.memory_space<semaphore_mem>>) src(%dma_wait3A_373 : memref<1280x32xf32, #tpu.memory_space<hbm>>) dst(%arg6 : memref<1280x32xf32, #tpu.memory_space<vmem>>)
    %add3A_374 = arith.constant 10 : i32
    %add3A_375 = arith.addi %mul3A_2, %add3A_374 : i32
    %dma_start3A_376 = arith.constant 0 : i32
    %dma_start3A_377 = arith.constant 0 : i32
    %dma_start3A_378 = tpu.memref_slice %arg4[%add3A_375, %dma_start3A_376, %dma_start3A_377] : memref<640x1280x32xf32, #tpu.memory_space<hbm>> -> memref<1x1280x32xf32, #tpu.memory_space<hbm>>
    %dma_start3A_379 = tpu.memref_squeeze %dma_start3A_378 : memref<1x1280x32xf32, #tpu.memory_space<hbm>> -> memref<1280x32xf32, #tpu.memory_space<hbm>>
    %dma_start3A_380 = arith.constant 0 : i32
    %dma_start3A_381 = arith.constant 0 : i32
    %dma_start3A_382 = tpu.memref_slice %arg4[%add3A_375, %dma_start3A_380, %dma_start3A_381] : memref<640x1280x32xf32, #tpu.memory_space<hbm>> -> memref<1x1280x32xf32, #tpu.memory_space<hbm>>
    %dma_start3A_383 = tpu.memref_squeeze %dma_start3A_382 : memref<1x1280x32xf32, #tpu.memory_space<hbm>> -> memref<1280x32xf32, #tpu.memory_space<hbm>>
    tpu.enqueue_dma source(%arg6 : memref<1280x32xf32, #tpu.memory_space<vmem>>) target(%dma_start3A_383 : memref<1280x32xf32, #tpu.memory_space<hbm>>) target_semaphore(%arg10 : memref<!tpu.dma_semaphore, #tpu.memory_space<semaphore_mem>>)
    %dma_wait3A_384 = arith.constant 0 : i32
    %dma_wait3A_385 = arith.constant 0 : i32
    %dma_wait3A_386 = arith.constant 0 : i32
    %dma_wait3A_387 = tpu.memref_slice %arg4[%dma_wait3A_384, %dma_wait3A_385, %dma_wait3A_386] : memref<640x1280x32xf32, #tpu.memory_space<hbm>> -> memref<1x1280x32xf32, #tpu.memory_space<hbm>>
    %dma_wait3A_388 = tpu.memref_squeeze %dma_wait3A_387 : memref<1x1280x32xf32, #tpu.memory_space<hbm>> -> memref<1280x32xf32, #tpu.memory_space<hbm>>
    %dma_wait3A_389 = arith.constant 0 : i32
    %dma_wait3A_390 = arith.constant 0 : i32
    %dma_wait3A_391 = tpu.memref_slice %arg4[%dma_wait3A_384, %dma_wait3A_389, %dma_wait3A_390] : memref<640x1280x32xf32, #tpu.memory_space<hbm>> -> memref<1x1280x32xf32, #tpu.memory_space<hbm>>
    %dma_wait3A_392 = tpu.memref_squeeze %dma_wait3A_391 : memref<1x1280x32xf32, #tpu.memory_space<hbm>> -> memref<1280x32xf32, #tpu.memory_space<hbm>>
    tpu.wait_dma2 semaphore(%arg10 : memref<!tpu.dma_semaphore, #tpu.memory_space<semaphore_mem>>) src(%arg6 : memref<1280x32xf32, #tpu.memory_space<vmem>>) dst(%dma_wait3A_392 : memref<1280x32xf32, #tpu.memory_space<hbm>>)
    %dma_start3A_393 = arith.constant 12 : i32
    %dma_start3A_394 = arith.constant 0 : i32
    %dma_start3A_395 = tpu.memref_slice %arg5[%dma_start3A_393, %dma_start3A_394] : memref<20x1280xi32, #tpu.memory_space<vmem>> -> memref<1x1280xi32, #tpu.memory_space<vmem>>
    %dma_start3A_396 = tpu.memref_squeeze %dma_start3A_395 : memref<1x1280xi32, #tpu.memory_space<vmem>> -> memref<1280xi32, #tpu.memory_space<vmem>>
    %dma_start3A_397 = arith.constant 0 : i32
    %dma_start3A_398 = arith.constant 0 : i32
    %dma_start3A_399 = tpu.memref_slice %arg3[%dma_start3A_397, %dma_start3A_398] : memref<1000000x32xf32, #tpu.memory_space<hbm>> -> memref<1000000x32xf32, #tpu.memory_space<hbm>>
    tpu.enqueue_indirect_dma source(%dma_start3A_399 : memref<1000000x32xf32, #tpu.memory_space<hbm>>) target(%arg6 : memref<1280x32xf32, #tpu.memory_space<vmem>>) offsets(%dma_start3A_396 : memref<1280xi32, #tpu.memory_space<vmem>>) semaphore(%arg8 : memref<!tpu.dma_semaphore, #tpu.memory_space<semaphore_mem>>)
    %dma_wait3A_400 = arith.constant 0 : i32
    %dma_wait3A_401 = arith.constant 0 : i32
    %dma_wait3A_402 = arith.constant 0 : i32
    %dma_wait3A_403 = tpu.memref_slice %arg4[%dma_wait3A_400, %dma_wait3A_401, %dma_wait3A_402] : memref<640x1280x32xf32, #tpu.memory_space<hbm>> -> memref<1x1280x32xf32, #tpu.memory_space<hbm>>
    %dma_wait3A_404 = tpu.memref_squeeze %dma_wait3A_403 : memref<1x1280x32xf32, #tpu.memory_space<hbm>> -> memref<1280x32xf32, #tpu.memory_space<hbm>>
    %dma_wait3A_405 = arith.constant 0 : i32
    %dma_wait3A_406 = arith.constant 0 : i32
    %dma_wait3A_407 = tpu.memref_slice %arg4[%dma_wait3A_400, %dma_wait3A_405, %dma_wait3A_406] : memref<640x1280x32xf32, #tpu.memory_space<hbm>> -> memref<1x1280x32xf32, #tpu.memory_space<hbm>>
    %dma_wait3A_408 = tpu.memref_squeeze %dma_wait3A_407 : memref<1x1280x32xf32, #tpu.memory_space<hbm>> -> memref<1280x32xf32, #tpu.memory_space<hbm>>
    tpu.wait_dma2 semaphore(%arg9 : memref<!tpu.dma_semaphore, #tpu.memory_space<semaphore_mem>>) src(%dma_wait3A_408 : memref<1280x32xf32, #tpu.memory_space<hbm>>) dst(%arg7 : memref<1280x32xf32, #tpu.memory_space<vmem>>)
    %add3A_409 = arith.constant 11 : i32
    %add3A_410 = arith.addi %mul3A_2, %add3A_409 : i32
    %dma_start3A_411 = arith.constant 0 : i32
    %dma_start3A_412 = arith.constant 0 : i32
    %dma_start3A_413 = tpu.memref_slice %arg4[%add3A_410, %dma_start3A_411, %dma_start3A_412] : memref<640x1280x32xf32, #tpu.memory_space<hbm>> -> memref<1x1280x32xf32, #tpu.memory_space<hbm>>
    %dma_start3A_414 = tpu.memref_squeeze %dma_start3A_413 : memref<1x1280x32xf32, #tpu.memory_space<hbm>> -> memref<1280x32xf32, #tpu.memory_space<hbm>>
    %dma_start3A_415 = arith.constant 0 : i32
    %dma_start3A_416 = arith.constant 0 : i32
    %dma_start3A_417 = tpu.memref_slice %arg4[%add3A_410, %dma_start3A_415, %dma_start3A_416] : memref<640x1280x32xf32, #tpu.memory_space<hbm>> -> memref<1x1280x32xf32, #tpu.memory_space<hbm>>
    %dma_start3A_418 = tpu.memref_squeeze %dma_start3A_417 : memref<1x1280x32xf32, #tpu.memory_space<hbm>> -> memref<1280x32xf32, #tpu.memory_space<hbm>>
    tpu.enqueue_dma source(%arg7 : memref<1280x32xf32, #tpu.memory_space<vmem>>) target(%dma_start3A_418 : memref<1280x32xf32, #tpu.memory_space<hbm>>) target_semaphore(%arg11 : memref<!tpu.dma_semaphore, #tpu.memory_space<semaphore_mem>>)
    %dma_wait3A_419 = arith.constant 0 : i32
    %dma_wait3A_420 = arith.constant 0 : i32
    %dma_wait3A_421 = arith.constant 0 : i32
    %dma_wait3A_422 = tpu.memref_slice %arg4[%dma_wait3A_419, %dma_wait3A_420, %dma_wait3A_421] : memref<640x1280x32xf32, #tpu.memory_space<hbm>> -> memref<1x1280x32xf32, #tpu.memory_space<hbm>>
    %dma_wait3A_423 = tpu.memref_squeeze %dma_wait3A_422 : memref<1x1280x32xf32, #tpu.memory_space<hbm>> -> memref<1280x32xf32, #tpu.memory_space<hbm>>
    %dma_wait3A_424 = arith.constant 0 : i32
    %dma_wait3A_425 = arith.constant 0 : i32
    %dma_wait3A_426 = tpu.memref_slice %arg4[%dma_wait3A_419, %dma_wait3A_424, %dma_wait3A_425] : memref<640x1280x32xf32, #tpu.memory_space<hbm>> -> memref<1x1280x32xf32, #tpu.memory_space<hbm>>
    %dma_wait3A_427 = tpu.memref_squeeze %dma_wait3A_426 : memref<1x1280x32xf32, #tpu.memory_space<hbm>> -> memref<1280x32xf32, #tpu.memory_space<hbm>>
    tpu.wait_dma2 semaphore(%arg11 : memref<!tpu.dma_semaphore, #tpu.memory_space<semaphore_mem>>) src(%arg7 : memref<1280x32xf32, #tpu.memory_space<vmem>>) dst(%dma_wait3A_427 : memref<1280x32xf32, #tpu.memory_space<hbm>>)
    %dma_start3A_428 = arith.constant 13 : i32
    %dma_start3A_429 = arith.constant 0 : i32
    %dma_start3A_430 = tpu.memref_slice %arg5[%dma_start3A_428, %dma_start3A_429] : memref<20x1280xi32, #tpu.memory_space<vmem>> -> memref<1x1280xi32, #tpu.memory_space<vmem>>
    %dma_start3A_431 = tpu.memref_squeeze %dma_start3A_430 : memref<1x1280xi32, #tpu.memory_space<vmem>> -> memref<1280xi32, #tpu.memory_space<vmem>>
    %dma_start3A_432 = arith.constant 0 : i32
    %dma_start3A_433 = arith.constant 0 : i32
    %dma_start3A_434 = tpu.memref_slice %arg3[%dma_start3A_432, %dma_start3A_433] : memref<1000000x32xf32, #tpu.memory_space<hbm>> -> memref<1000000x32xf32, #tpu.memory_space<hbm>>
    tpu.enqueue_indirect_dma source(%dma_start3A_434 : memref<1000000x32xf32, #tpu.memory_space<hbm>>) target(%arg7 : memref<1280x32xf32, #tpu.memory_space<vmem>>) offsets(%dma_start3A_431 : memref<1280xi32, #tpu.memory_space<vmem>>) semaphore(%arg9 : memref<!tpu.dma_semaphore, #tpu.memory_space<semaphore_mem>>)
    %dma_wait3A_435 = arith.constant 0 : i32
    %dma_wait3A_436 = arith.constant 0 : i32
    %dma_wait3A_437 = arith.constant 0 : i32
    %dma_wait3A_438 = tpu.memref_slice %arg4[%dma_wait3A_435, %dma_wait3A_436, %dma_wait3A_437] : memref<640x1280x32xf32, #tpu.memory_space<hbm>> -> memref<1x1280x32xf32, #tpu.memory_space<hbm>>
    %dma_wait3A_439 = tpu.memref_squeeze %dma_wait3A_438 : memref<1x1280x32xf32, #tpu.memory_space<hbm>> -> memref<1280x32xf32, #tpu.memory_space<hbm>>
    %dma_wait3A_440 = arith.constant 0 : i32
    %dma_wait3A_441 = arith.constant 0 : i32
    %dma_wait3A_442 = tpu.memref_slice %arg4[%dma_wait3A_435, %dma_wait3A_440, %dma_wait3A_441] : memref<640x1280x32xf32, #tpu.memory_space<hbm>> -> memref<1x1280x32xf32, #tpu.memory_space<hbm>>
    %dma_wait3A_443 = tpu.memref_squeeze %dma_wait3A_442 : memref<1x1280x32xf32, #tpu.memory_space<hbm>> -> memref<1280x32xf32, #tpu.memory_space<hbm>>
    tpu.wait_dma2 semaphore(%arg8 : memref<!tpu.dma_semaphore, #tpu.memory_space<semaphore_mem>>) src(%dma_wait3A_443 : memref<1280x32xf32, #tpu.memory_space<hbm>>) dst(%arg6 : memref<1280x32xf32, #tpu.memory_space<vmem>>)
    %add3A_444 = arith.constant 12 : i32
    %add3A_445 = arith.addi %mul3A_2, %add3A_444 : i32
    %dma_start3A_446 = arith.constant 0 : i32
    %dma_start3A_447 = arith.constant 0 : i32
    %dma_start3A_448 = tpu.memref_slice %arg4[%add3A_445, %dma_start3A_446, %dma_start3A_447] : memref<640x1280x32xf32, #tpu.memory_space<hbm>> -> memref<1x1280x32xf32, #tpu.memory_space<hbm>>
    %dma_start3A_449 = tpu.memref_squeeze %dma_start3A_448 : memref<1x1280x32xf32, #tpu.memory_space<hbm>> -> memref<1280x32xf32, #tpu.memory_space<hbm>>
    %dma_start3A_450 = arith.constant 0 : i32
    %dma_start3A_451 = arith.constant 0 : i32
    %dma_start3A_452 = tpu.memref_slice %arg4[%add3A_445, %dma_start3A_450, %dma_start3A_451] : memref<640x1280x32xf32, #tpu.memory_space<hbm>> -> memref<1x1280x32xf32, #tpu.memory_space<hbm>>
    %dma_start3A_453 = tpu.memref_squeeze %dma_start3A_452 : memref<1x1280x32xf32, #tpu.memory_space<hbm>> -> memref<1280x32xf32, #tpu.memory_space<hbm>>
    tpu.enqueue_dma source(%arg6 : memref<1280x32xf32, #tpu.memory_space<vmem>>) target(%dma_start3A_453 : memref<1280x32xf32, #tpu.memory_space<hbm>>) target_semaphore(%arg10 : memref<!tpu.dma_semaphore, #tpu.memory_space<semaphore_mem>>)
    %dma_wait3A_454 = arith.constant 0 : i32
    %dma_wait3A_455 = arith.constant 0 : i32
    %dma_wait3A_456 = arith.constant 0 : i32
    %dma_wait3A_457 = tpu.memref_slice %arg4[%dma_wait3A_454, %dma_wait3A_455, %dma_wait3A_456] : memref<640x1280x32xf32, #tpu.memory_space<hbm>> -> memref<1x1280x32xf32, #tpu.memory_space<hbm>>
    %dma_wait3A_458 = tpu.memref_squeeze %dma_wait3A_457 : memref<1x1280x32xf32, #tpu.memory_space<hbm>> -> memref<1280x32xf32, #tpu.memory_space<hbm>>
    %dma_wait3A_459 = arith.constant 0 : i32
    %dma_wait3A_460 = arith.constant 0 : i32
    %dma_wait3A_461 = tpu.memref_slice %arg4[%dma_wait3A_454, %dma_wait3A_459, %dma_wait3A_460] : memref<640x1280x32xf32, #tpu.memory_space<hbm>> -> memref<1x1280x32xf32, #tpu.memory_space<hbm>>
    %dma_wait3A_462 = tpu.memref_squeeze %dma_wait3A_461 : memref<1x1280x32xf32, #tpu.memory_space<hbm>> -> memref<1280x32xf32, #tpu.memory_space<hbm>>
    tpu.wait_dma2 semaphore(%arg10 : memref<!tpu.dma_semaphore, #tpu.memory_space<semaphore_mem>>) src(%arg6 : memref<1280x32xf32, #tpu.memory_space<vmem>>) dst(%dma_wait3A_462 : memref<1280x32xf32, #tpu.memory_space<hbm>>)
    %dma_start3A_463 = arith.constant 14 : i32
    %dma_start3A_464 = arith.constant 0 : i32
    %dma_start3A_465 = tpu.memref_slice %arg5[%dma_start3A_463, %dma_start3A_464] : memref<20x1280xi32, #tpu.memory_space<vmem>> -> memref<1x1280xi32, #tpu.memory_space<vmem>>
    %dma_start3A_466 = tpu.memref_squeeze %dma_start3A_465 : memref<1x1280xi32, #tpu.memory_space<vmem>> -> memref<1280xi32, #tpu.memory_space<vmem>>
    %dma_start3A_467 = arith.constant 0 : i32
    %dma_start3A_468 = arith.constant 0 : i32
    %dma_start3A_469 = tpu.memref_slice %arg3[%dma_start3A_467, %dma_start3A_468] : memref<1000000x32xf32, #tpu.memory_space<hbm>> -> memref<1000000x32xf32, #tpu.memory_space<hbm>>
    tpu.enqueue_indirect_dma source(%dma_start3A_469 : memref<1000000x32xf32, #tpu.memory_space<hbm>>) target(%arg6 : memref<1280x32xf32, #tpu.memory_space<vmem>>) offsets(%dma_start3A_466 : memref<1280xi32, #tpu.memory_space<vmem>>) semaphore(%arg8 : memref<!tpu.dma_semaphore, #tpu.memory_space<semaphore_mem>>)
    %dma_wait3A_470 = arith.constant 0 : i32
    %dma_wait3A_471 = arith.constant 0 : i32
    %dma_wait3A_472 = arith.constant 0 : i32
    %dma_wait3A_473 = tpu.memref_slice %arg4[%dma_wait3A_470, %dma_wait3A_471, %dma_wait3A_472] : memref<640x1280x32xf32, #tpu.memory_space<hbm>> -> memref<1x1280x32xf32, #tpu.memory_space<hbm>>
    %dma_wait3A_474 = tpu.memref_squeeze %dma_wait3A_473 : memref<1x1280x32xf32, #tpu.memory_space<hbm>> -> memref<1280x32xf32, #tpu.memory_space<hbm>>
    %dma_wait3A_475 = arith.constant 0 : i32
    %dma_wait3A_476 = arith.constant 0 : i32
    %dma_wait3A_477 = tpu.memref_slice %arg4[%dma_wait3A_470, %dma_wait3A_475, %dma_wait3A_476] : memref<640x1280x32xf32, #tpu.memory_space<hbm>> -> memref<1x1280x32xf32, #tpu.memory_space<hbm>>
    %dma_wait3A_478 = tpu.memref_squeeze %dma_wait3A_477 : memref<1x1280x32xf32, #tpu.memory_space<hbm>> -> memref<1280x32xf32, #tpu.memory_space<hbm>>
    tpu.wait_dma2 semaphore(%arg9 : memref<!tpu.dma_semaphore, #tpu.memory_space<semaphore_mem>>) src(%dma_wait3A_478 : memref<1280x32xf32, #tpu.memory_space<hbm>>) dst(%arg7 : memref<1280x32xf32, #tpu.memory_space<vmem>>)
    %add3A_479 = arith.constant 13 : i32
    %add3A_480 = arith.addi %mul3A_2, %add3A_479 : i32
    %dma_start3A_481 = arith.constant 0 : i32
    %dma_start3A_482 = arith.constant 0 : i32
    %dma_start3A_483 = tpu.memref_slice %arg4[%add3A_480, %dma_start3A_481, %dma_start3A_482] : memref<640x1280x32xf32, #tpu.memory_space<hbm>> -> memref<1x1280x32xf32, #tpu.memory_space<hbm>>
    %dma_start3A_484 = tpu.memref_squeeze %dma_start3A_483 : memref<1x1280x32xf32, #tpu.memory_space<hbm>> -> memref<1280x32xf32, #tpu.memory_space<hbm>>
    %dma_start3A_485 = arith.constant 0 : i32
    %dma_start3A_486 = arith.constant 0 : i32
    %dma_start3A_487 = tpu.memref_slice %arg4[%add3A_480, %dma_start3A_485, %dma_start3A_486] : memref<640x1280x32xf32, #tpu.memory_space<hbm>> -> memref<1x1280x32xf32, #tpu.memory_space<hbm>>
    %dma_start3A_488 = tpu.memref_squeeze %dma_start3A_487 : memref<1x1280x32xf32, #tpu.memory_space<hbm>> -> memref<1280x32xf32, #tpu.memory_space<hbm>>
    tpu.enqueue_dma source(%arg7 : memref<1280x32xf32, #tpu.memory_space<vmem>>) target(%dma_start3A_488 : memref<1280x32xf32, #tpu.memory_space<hbm>>) target_semaphore(%arg11 : memref<!tpu.dma_semaphore, #tpu.memory_space<semaphore_mem>>)
    %dma_wait3A_489 = arith.constant 0 : i32
    %dma_wait3A_490 = arith.constant 0 : i32
    %dma_wait3A_491 = arith.constant 0 : i32
    %dma_wait3A_492 = tpu.memref_slice %arg4[%dma_wait3A_489, %dma_wait3A_490, %dma_wait3A_491] : memref<640x1280x32xf32, #tpu.memory_space<hbm>> -> memref<1x1280x32xf32, #tpu.memory_space<hbm>>
    %dma_wait3A_493 = tpu.memref_squeeze %dma_wait3A_492 : memref<1x1280x32xf32, #tpu.memory_space<hbm>> -> memref<1280x32xf32, #tpu.memory_space<hbm>>
    %dma_wait3A_494 = arith.constant 0 : i32
    %dma_wait3A_495 = arith.constant 0 : i32
    %dma_wait3A_496 = tpu.memref_slice %arg4[%dma_wait3A_489, %dma_wait3A_494, %dma_wait3A_495] : memref<640x1280x32xf32, #tpu.memory_space<hbm>> -> memref<1x1280x32xf32, #tpu.memory_space<hbm>>
    %dma_wait3A_497 = tpu.memref_squeeze %dma_wait3A_496 : memref<1x1280x32xf32, #tpu.memory_space<hbm>> -> memref<1280x32xf32, #tpu.memory_space<hbm>>
    tpu.wait_dma2 semaphore(%arg11 : memref<!tpu.dma_semaphore, #tpu.memory_space<semaphore_mem>>) src(%arg7 : memref<1280x32xf32, #tpu.memory_space<vmem>>) dst(%dma_wait3A_497 : memref<1280x32xf32, #tpu.memory_space<hbm>>)
    %dma_start3A_498 = arith.constant 15 : i32
    %dma_start3A_499 = arith.constant 0 : i32
    %dma_start3A_500 = tpu.memref_slice %arg5[%dma_start3A_498, %dma_start3A_499] : memref<20x1280xi32, #tpu.memory_space<vmem>> -> memref<1x1280xi32, #tpu.memory_space<vmem>>
    %dma_start3A_501 = tpu.memref_squeeze %dma_start3A_500 : memref<1x1280xi32, #tpu.memory_space<vmem>> -> memref<1280xi32, #tpu.memory_space<vmem>>
    %dma_start3A_502 = arith.constant 0 : i32
    %dma_start3A_503 = arith.constant 0 : i32
    %dma_start3A_504 = tpu.memref_slice %arg3[%dma_start3A_502, %dma_start3A_503] : memref<1000000x32xf32, #tpu.memory_space<hbm>> -> memref<1000000x32xf32, #tpu.memory_space<hbm>>
    tpu.enqueue_indirect_dma source(%dma_start3A_504 : memref<1000000x32xf32, #tpu.memory_space<hbm>>) target(%arg7 : memref<1280x32xf32, #tpu.memory_space<vmem>>) offsets(%dma_start3A_501 : memref<1280xi32, #tpu.memory_space<vmem>>) semaphore(%arg9 : memref<!tpu.dma_semaphore, #tpu.memory_space<semaphore_mem>>)
    %dma_wait3A_505 = arith.constant 0 : i32
    %dma_wait3A_506 = arith.constant 0 : i32
    %dma_wait3A_507 = arith.constant 0 : i32
    %dma_wait3A_508 = tpu.memref_slice %arg4[%dma_wait3A_505, %dma_wait3A_506, %dma_wait3A_507] : memref<640x1280x32xf32, #tpu.memory_space<hbm>> -> memref<1x1280x32xf32, #tpu.memory_space<hbm>>
    %dma_wait3A_509 = tpu.memref_squeeze %dma_wait3A_508 : memref<1x1280x32xf32, #tpu.memory_space<hbm>> -> memref<1280x32xf32, #tpu.memory_space<hbm>>
    %dma_wait3A_510 = arith.constant 0 : i32
    %dma_wait3A_511 = arith.constant 0 : i32
    %dma_wait3A_512 = tpu.memref_slice %arg4[%dma_wait3A_505, %dma_wait3A_510, %dma_wait3A_511] : memref<640x1280x32xf32, #tpu.memory_space<hbm>> -> memref<1x1280x32xf32, #tpu.memory_space<hbm>>
    %dma_wait3A_513 = tpu.memref_squeeze %dma_wait3A_512 : memref<1x1280x32xf32, #tpu.memory_space<hbm>> -> memref<1280x32xf32, #tpu.memory_space<hbm>>
    tpu.wait_dma2 semaphore(%arg8 : memref<!tpu.dma_semaphore, #tpu.memory_space<semaphore_mem>>) src(%dma_wait3A_513 : memref<1280x32xf32, #tpu.memory_space<hbm>>) dst(%arg6 : memref<1280x32xf32, #tpu.memory_space<vmem>>)
    %add3A_514 = arith.constant 14 : i32
    %add3A_515 = arith.addi %mul3A_2, %add3A_514 : i32
    %dma_start3A_516 = arith.constant 0 : i32
    %dma_start3A_517 = arith.constant 0 : i32
    %dma_start3A_518 = tpu.memref_slice %arg4[%add3A_515, %dma_start3A_516, %dma_start3A_517] : memref<640x1280x32xf32, #tpu.memory_space<hbm>> -> memref<1x1280x32xf32, #tpu.memory_space<hbm>>
    %dma_start3A_519 = tpu.memref_squeeze %dma_start3A_518 : memref<1x1280x32xf32, #tpu.memory_space<hbm>> -> memref<1280x32xf32, #tpu.memory_space<hbm>>
    %dma_start3A_520 = arith.constant 0 : i32
    %dma_start3A_521 = arith.constant 0 : i32
    %dma_start3A_522 = tpu.memref_slice %arg4[%add3A_515, %dma_start3A_520, %dma_start3A_521] : memref<640x1280x32xf32, #tpu.memory_space<hbm>> -> memref<1x1280x32xf32, #tpu.memory_space<hbm>>
    %dma_start3A_523 = tpu.memref_squeeze %dma_start3A_522 : memref<1x1280x32xf32, #tpu.memory_space<hbm>> -> memref<1280x32xf32, #tpu.memory_space<hbm>>
    tpu.enqueue_dma source(%arg6 : memref<1280x32xf32, #tpu.memory_space<vmem>>) target(%dma_start3A_523 : memref<1280x32xf32, #tpu.memory_space<hbm>>) target_semaphore(%arg10 : memref<!tpu.dma_semaphore, #tpu.memory_space<semaphore_mem>>)
    %dma_wait3A_524 = arith.constant 0 : i32
    %dma_wait3A_525 = arith.constant 0 : i32
    %dma_wait3A_526 = arith.constant 0 : i32
    %dma_wait3A_527 = tpu.memref_slice %arg4[%dma_wait3A_524, %dma_wait3A_525, %dma_wait3A_526] : memref<640x1280x32xf32, #tpu.memory_space<hbm>> -> memref<1x1280x32xf32, #tpu.memory_space<hbm>>
    %dma_wait3A_528 = tpu.memref_squeeze %dma_wait3A_527 : memref<1x1280x32xf32, #tpu.memory_space<hbm>> -> memref<1280x32xf32, #tpu.memory_space<hbm>>
    %dma_wait3A_529 = arith.constant 0 : i32
    %dma_wait3A_530 = arith.constant 0 : i32
    %dma_wait3A_531 = tpu.memref_slice %arg4[%dma_wait3A_524, %dma_wait3A_529, %dma_wait3A_530] : memref<640x1280x32xf32, #tpu.memory_space<hbm>> -> memref<1x1280x32xf32, #tpu.memory_space<hbm>>
    %dma_wait3A_532 = tpu.memref_squeeze %dma_wait3A_531 : memref<1x1280x32xf32, #tpu.memory_space<hbm>> -> memref<1280x32xf32, #tpu.memory_space<hbm>>
    tpu.wait_dma2 semaphore(%arg10 : memref<!tpu.dma_semaphore, #tpu.memory_space<semaphore_mem>>) src(%arg6 : memref<1280x32xf32, #tpu.memory_space<vmem>>) dst(%dma_wait3A_532 : memref<1280x32xf32, #tpu.memory_space<hbm>>)
    %dma_start3A_533 = arith.constant 16 : i32
    %dma_start3A_534 = arith.constant 0 : i32
    %dma_start3A_535 = tpu.memref_slice %arg5[%dma_start3A_533, %dma_start3A_534] : memref<20x1280xi32, #tpu.memory_space<vmem>> -> memref<1x1280xi32, #tpu.memory_space<vmem>>
    %dma_start3A_536 = tpu.memref_squeeze %dma_start3A_535 : memref<1x1280xi32, #tpu.memory_space<vmem>> -> memref<1280xi32, #tpu.memory_space<vmem>>
    %dma_start3A_537 = arith.constant 0 : i32
    %dma_start3A_538 = arith.constant 0 : i32
    %dma_start3A_539 = tpu.memref_slice %arg3[%dma_start3A_537, %dma_start3A_538] : memref<1000000x32xf32, #tpu.memory_space<hbm>> -> memref<1000000x32xf32, #tpu.memory_space<hbm>>
    tpu.enqueue_indirect_dma source(%dma_start3A_539 : memref<1000000x32xf32, #tpu.memory_space<hbm>>) target(%arg6 : memref<1280x32xf32, #tpu.memory_space<vmem>>) offsets(%dma_start3A_536 : memref<1280xi32, #tpu.memory_space<vmem>>) semaphore(%arg8 : memref<!tpu.dma_semaphore, #tpu.memory_space<semaphore_mem>>)
    %dma_wait3A_540 = arith.constant 0 : i32
    %dma_wait3A_541 = arith.constant 0 : i32
    %dma_wait3A_542 = arith.constant 0 : i32
    %dma_wait3A_543 = tpu.memref_slice %arg4[%dma_wait3A_540, %dma_wait3A_541, %dma_wait3A_542] : memref<640x1280x32xf32, #tpu.memory_space<hbm>> -> memref<1x1280x32xf32, #tpu.memory_space<hbm>>
    %dma_wait3A_544 = tpu.memref_squeeze %dma_wait3A_543 : memref<1x1280x32xf32, #tpu.memory_space<hbm>> -> memref<1280x32xf32, #tpu.memory_space<hbm>>
    %dma_wait3A_545 = arith.constant 0 : i32
    %dma_wait3A_546 = arith.constant 0 : i32
    %dma_wait3A_547 = tpu.memref_slice %arg4[%dma_wait3A_540, %dma_wait3A_545, %dma_wait3A_546] : memref<640x1280x32xf32, #tpu.memory_space<hbm>> -> memref<1x1280x32xf32, #tpu.memory_space<hbm>>
    %dma_wait3A_548 = tpu.memref_squeeze %dma_wait3A_547 : memref<1x1280x32xf32, #tpu.memory_space<hbm>> -> memref<1280x32xf32, #tpu.memory_space<hbm>>
    tpu.wait_dma2 semaphore(%arg9 : memref<!tpu.dma_semaphore, #tpu.memory_space<semaphore_mem>>) src(%dma_wait3A_548 : memref<1280x32xf32, #tpu.memory_space<hbm>>) dst(%arg7 : memref<1280x32xf32, #tpu.memory_space<vmem>>)
    %add3A_549 = arith.constant 15 : i32
    %add3A_550 = arith.addi %mul3A_2, %add3A_549 : i32
    %dma_start3A_551 = arith.constant 0 : i32
    %dma_start3A_552 = arith.constant 0 : i32
    %dma_start3A_553 = tpu.memref_slice %arg4[%add3A_550, %dma_start3A_551, %dma_start3A_552] : memref<640x1280x32xf32, #tpu.memory_space<hbm>> -> memref<1x1280x32xf32, #tpu.memory_space<hbm>>
    %dma_start3A_554 = tpu.memref_squeeze %dma_start3A_553 : memref<1x1280x32xf32, #tpu.memory_space<hbm>> -> memref<1280x32xf32, #tpu.memory_space<hbm>>
    %dma_start3A_555 = arith.constant 0 : i32
    %dma_start3A_556 = arith.constant 0 : i32
    %dma_start3A_557 = tpu.memref_slice %arg4[%add3A_550, %dma_start3A_555, %dma_start3A_556] : memref<640x1280x32xf32, #tpu.memory_space<hbm>> -> memref<1x1280x32xf32, #tpu.memory_space<hbm>>
    %dma_start3A_558 = tpu.memref_squeeze %dma_start3A_557 : memref<1x1280x32xf32, #tpu.memory_space<hbm>> -> memref<1280x32xf32, #tpu.memory_space<hbm>>
    tpu.enqueue_dma source(%arg7 : memref<1280x32xf32, #tpu.memory_space<vmem>>) target(%dma_start3A_558 : memref<1280x32xf32, #tpu.memory_space<hbm>>) target_semaphore(%arg11 : memref<!tpu.dma_semaphore, #tpu.memory_space<semaphore_mem>>)
    %dma_wait3A_559 = arith.constant 0 : i32
    %dma_wait3A_560 = arith.constant 0 : i32
    %dma_wait3A_561 = arith.constant 0 : i32
    %dma_wait3A_562 = tpu.memref_slice %arg4[%dma_wait3A_559, %dma_wait3A_560, %dma_wait3A_561] : memref<640x1280x32xf32, #tpu.memory_space<hbm>> -> memref<1x1280x32xf32, #tpu.memory_space<hbm>>
    %dma_wait3A_563 = tpu.memref_squeeze %dma_wait3A_562 : memref<1x1280x32xf32, #tpu.memory_space<hbm>> -> memref<1280x32xf32, #tpu.memory_space<hbm>>
    %dma_wait3A_564 = arith.constant 0 : i32
    %dma_wait3A_565 = arith.constant 0 : i32
    %dma_wait3A_566 = tpu.memref_slice %arg4[%dma_wait3A_559, %dma_wait3A_564, %dma_wait3A_565] : memref<640x1280x32xf32, #tpu.memory_space<hbm>> -> memref<1x1280x32xf32, #tpu.memory_space<hbm>>
    %dma_wait3A_567 = tpu.memref_squeeze %dma_wait3A_566 : memref<1x1280x32xf32, #tpu.memory_space<hbm>> -> memref<1280x32xf32, #tpu.memory_space<hbm>>
    tpu.wait_dma2 semaphore(%arg11 : memref<!tpu.dma_semaphore, #tpu.memory_space<semaphore_mem>>) src(%arg7 : memref<1280x32xf32, #tpu.memory_space<vmem>>) dst(%dma_wait3A_567 : memref<1280x32xf32, #tpu.memory_space<hbm>>)
    %dma_start3A_568 = arith.constant 17 : i32
    %dma_start3A_569 = arith.constant 0 : i32
    %dma_start3A_570 = tpu.memref_slice %arg5[%dma_start3A_568, %dma_start3A_569] : memref<20x1280xi32, #tpu.memory_space<vmem>> -> memref<1x1280xi32, #tpu.memory_space<vmem>>
    %dma_start3A_571 = tpu.memref_squeeze %dma_start3A_570 : memref<1x1280xi32, #tpu.memory_space<vmem>> -> memref<1280xi32, #tpu.memory_space<vmem>>
    %dma_start3A_572 = arith.constant 0 : i32
    %dma_start3A_573 = arith.constant 0 : i32
    %dma_start3A_574 = tpu.memref_slice %arg3[%dma_start3A_572, %dma_start3A_573] : memref<1000000x32xf32, #tpu.memory_space<hbm>> -> memref<1000000x32xf32, #tpu.memory_space<hbm>>
    tpu.enqueue_indirect_dma source(%dma_start3A_574 : memref<1000000x32xf32, #tpu.memory_space<hbm>>) target(%arg7 : memref<1280x32xf32, #tpu.memory_space<vmem>>) offsets(%dma_start3A_571 : memref<1280xi32, #tpu.memory_space<vmem>>) semaphore(%arg9 : memref<!tpu.dma_semaphore, #tpu.memory_space<semaphore_mem>>)
    %dma_wait3A_575 = arith.constant 0 : i32
    %dma_wait3A_576 = arith.constant 0 : i32
    %dma_wait3A_577 = arith.constant 0 : i32
    %dma_wait3A_578 = tpu.memref_slice %arg4[%dma_wait3A_575, %dma_wait3A_576, %dma_wait3A_577] : memref<640x1280x32xf32, #tpu.memory_space<hbm>> -> memref<1x1280x32xf32, #tpu.memory_space<hbm>>
    %dma_wait3A_579 = tpu.memref_squeeze %dma_wait3A_578 : memref<1x1280x32xf32, #tpu.memory_space<hbm>> -> memref<1280x32xf32, #tpu.memory_space<hbm>>
    %dma_wait3A_580 = arith.constant 0 : i32
    %dma_wait3A_581 = arith.constant 0 : i32
    %dma_wait3A_582 = tpu.memref_slice %arg4[%dma_wait3A_575, %dma_wait3A_580, %dma_wait3A_581] : memref<640x1280x32xf32, #tpu.memory_space<hbm>> -> memref<1x1280x32xf32, #tpu.memory_space<hbm>>
    %dma_wait3A_583 = tpu.memref_squeeze %dma_wait3A_582 : memref<1x1280x32xf32, #tpu.memory_space<hbm>> -> memref<1280x32xf32, #tpu.memory_space<hbm>>
    tpu.wait_dma2 semaphore(%arg8 : memref<!tpu.dma_semaphore, #tpu.memory_space<semaphore_mem>>) src(%dma_wait3A_583 : memref<1280x32xf32, #tpu.memory_space<hbm>>) dst(%arg6 : memref<1280x32xf32, #tpu.memory_space<vmem>>)
    %add3A_584 = arith.constant 16 : i32
    %add3A_585 = arith.addi %mul3A_2, %add3A_584 : i32
    %dma_start3A_586 = arith.constant 0 : i32
    %dma_start3A_587 = arith.constant 0 : i32
    %dma_start3A_588 = tpu.memref_slice %arg4[%add3A_585, %dma_start3A_586, %dma_start3A_587] : memref<640x1280x32xf32, #tpu.memory_space<hbm>> -> memref<1x1280x32xf32, #tpu.memory_space<hbm>>
    %dma_start3A_589 = tpu.memref_squeeze %dma_start3A_588 : memref<1x1280x32xf32, #tpu.memory_space<hbm>> -> memref<1280x32xf32, #tpu.memory_space<hbm>>
    %dma_start3A_590 = arith.constant 0 : i32
    %dma_start3A_591 = arith.constant 0 : i32
    %dma_start3A_592 = tpu.memref_slice %arg4[%add3A_585, %dma_start3A_590, %dma_start3A_591] : memref<640x1280x32xf32, #tpu.memory_space<hbm>> -> memref<1x1280x32xf32, #tpu.memory_space<hbm>>
    %dma_start3A_593 = tpu.memref_squeeze %dma_start3A_592 : memref<1x1280x32xf32, #tpu.memory_space<hbm>> -> memref<1280x32xf32, #tpu.memory_space<hbm>>
    tpu.enqueue_dma source(%arg6 : memref<1280x32xf32, #tpu.memory_space<vmem>>) target(%dma_start3A_593 : memref<1280x32xf32, #tpu.memory_space<hbm>>) target_semaphore(%arg10 : memref<!tpu.dma_semaphore, #tpu.memory_space<semaphore_mem>>)
    %dma_wait3A_594 = arith.constant 0 : i32
    %dma_wait3A_595 = arith.constant 0 : i32
    %dma_wait3A_596 = arith.constant 0 : i32
    %dma_wait3A_597 = tpu.memref_slice %arg4[%dma_wait3A_594, %dma_wait3A_595, %dma_wait3A_596] : memref<640x1280x32xf32, #tpu.memory_space<hbm>> -> memref<1x1280x32xf32, #tpu.memory_space<hbm>>
    %dma_wait3A_598 = tpu.memref_squeeze %dma_wait3A_597 : memref<1x1280x32xf32, #tpu.memory_space<hbm>> -> memref<1280x32xf32, #tpu.memory_space<hbm>>
    %dma_wait3A_599 = arith.constant 0 : i32
    %dma_wait3A_600 = arith.constant 0 : i32
    %dma_wait3A_601 = tpu.memref_slice %arg4[%dma_wait3A_594, %dma_wait3A_599, %dma_wait3A_600] : memref<640x1280x32xf32, #tpu.memory_space<hbm>> -> memref<1x1280x32xf32, #tpu.memory_space<hbm>>
    %dma_wait3A_602 = tpu.memref_squeeze %dma_wait3A_601 : memref<1x1280x32xf32, #tpu.memory_space<hbm>> -> memref<1280x32xf32, #tpu.memory_space<hbm>>
    tpu.wait_dma2 semaphore(%arg10 : memref<!tpu.dma_semaphore, #tpu.memory_space<semaphore_mem>>) src(%arg6 : memref<1280x32xf32, #tpu.memory_space<vmem>>) dst(%dma_wait3A_602 : memref<1280x32xf32, #tpu.memory_space<hbm>>)
    %dma_start3A_603 = arith.constant 18 : i32
    %dma_start3A_604 = arith.constant 0 : i32
    %dma_start3A_605 = tpu.memref_slice %arg5[%dma_start3A_603, %dma_start3A_604] : memref<20x1280xi32, #tpu.memory_space<vmem>> -> memref<1x1280xi32, #tpu.memory_space<vmem>>
    %dma_start3A_606 = tpu.memref_squeeze %dma_start3A_605 : memref<1x1280xi32, #tpu.memory_space<vmem>> -> memref<1280xi32, #tpu.memory_space<vmem>>
    %dma_start3A_607 = arith.constant 0 : i32
    %dma_start3A_608 = arith.constant 0 : i32
    %dma_start3A_609 = tpu.memref_slice %arg3[%dma_start3A_607, %dma_start3A_608] : memref<1000000x32xf32, #tpu.memory_space<hbm>> -> memref<1000000x32xf32, #tpu.memory_space<hbm>>
    tpu.enqueue_indirect_dma source(%dma_start3A_609 : memref<1000000x32xf32, #tpu.memory_space<hbm>>) target(%arg6 : memref<1280x32xf32, #tpu.memory_space<vmem>>) offsets(%dma_start3A_606 : memref<1280xi32, #tpu.memory_space<vmem>>) semaphore(%arg8 : memref<!tpu.dma_semaphore, #tpu.memory_space<semaphore_mem>>)
    %dma_wait3A_610 = arith.constant 0 : i32
    %dma_wait3A_611 = arith.constant 0 : i32
    %dma_wait3A_612 = arith.constant 0 : i32
    %dma_wait3A_613 = tpu.memref_slice %arg4[%dma_wait3A_610, %dma_wait3A_611, %dma_wait3A_612] : memref<640x1280x32xf32, #tpu.memory_space<hbm>> -> memref<1x1280x32xf32, #tpu.memory_space<hbm>>
    %dma_wait3A_614 = tpu.memref_squeeze %dma_wait3A_613 : memref<1x1280x32xf32, #tpu.memory_space<hbm>> -> memref<1280x32xf32, #tpu.memory_space<hbm>>
    %dma_wait3A_615 = arith.constant 0 : i32
    %dma_wait3A_616 = arith.constant 0 : i32
    %dma_wait3A_617 = tpu.memref_slice %arg4[%dma_wait3A_610, %dma_wait3A_615, %dma_wait3A_616] : memref<640x1280x32xf32, #tpu.memory_space<hbm>> -> memref<1x1280x32xf32, #tpu.memory_space<hbm>>
    %dma_wait3A_618 = tpu.memref_squeeze %dma_wait3A_617 : memref<1x1280x32xf32, #tpu.memory_space<hbm>> -> memref<1280x32xf32, #tpu.memory_space<hbm>>
    tpu.wait_dma2 semaphore(%arg9 : memref<!tpu.dma_semaphore, #tpu.memory_space<semaphore_mem>>) src(%dma_wait3A_618 : memref<1280x32xf32, #tpu.memory_space<hbm>>) dst(%arg7 : memref<1280x32xf32, #tpu.memory_space<vmem>>)
    %add3A_619 = arith.constant 17 : i32
    %add3A_620 = arith.addi %mul3A_2, %add3A_619 : i32
    %dma_start3A_621 = arith.constant 0 : i32
    %dma_start3A_622 = arith.constant 0 : i32
    %dma_start3A_623 = tpu.memref_slice %arg4[%add3A_620, %dma_start3A_621, %dma_start3A_622] : memref<640x1280x32xf32, #tpu.memory_space<hbm>> -> memref<1x1280x32xf32, #tpu.memory_space<hbm>>
    %dma_start3A_624 = tpu.memref_squeeze %dma_start3A_623 : memref<1x1280x32xf32, #tpu.memory_space<hbm>> -> memref<1280x32xf32, #tpu.memory_space<hbm>>
    %dma_start3A_625 = arith.constant 0 : i32
    %dma_start3A_626 = arith.constant 0 : i32
    %dma_start3A_627 = tpu.memref_slice %arg4[%add3A_620, %dma_start3A_625, %dma_start3A_626] : memref<640x1280x32xf32, #tpu.memory_space<hbm>> -> memref<1x1280x32xf32, #tpu.memory_space<hbm>>
    %dma_start3A_628 = tpu.memref_squeeze %dma_start3A_627 : memref<1x1280x32xf32, #tpu.memory_space<hbm>> -> memref<1280x32xf32, #tpu.memory_space<hbm>>
    tpu.enqueue_dma source(%arg7 : memref<1280x32xf32, #tpu.memory_space<vmem>>) target(%dma_start3A_628 : memref<1280x32xf32, #tpu.memory_space<hbm>>) target_semaphore(%arg11 : memref<!tpu.dma_semaphore, #tpu.memory_space<semaphore_mem>>)
    %dma_wait3A_629 = arith.constant 0 : i32
    %dma_wait3A_630 = arith.constant 0 : i32
    %dma_wait3A_631 = arith.constant 0 : i32
    %dma_wait3A_632 = tpu.memref_slice %arg4[%dma_wait3A_629, %dma_wait3A_630, %dma_wait3A_631] : memref<640x1280x32xf32, #tpu.memory_space<hbm>> -> memref<1x1280x32xf32, #tpu.memory_space<hbm>>
    %dma_wait3A_633 = tpu.memref_squeeze %dma_wait3A_632 : memref<1x1280x32xf32, #tpu.memory_space<hbm>> -> memref<1280x32xf32, #tpu.memory_space<hbm>>
    %dma_wait3A_634 = arith.constant 0 : i32
    %dma_wait3A_635 = arith.constant 0 : i32
    %dma_wait3A_636 = tpu.memref_slice %arg4[%dma_wait3A_629, %dma_wait3A_634, %dma_wait3A_635] : memref<640x1280x32xf32, #tpu.memory_space<hbm>> -> memref<1x1280x32xf32, #tpu.memory_space<hbm>>
    %dma_wait3A_637 = tpu.memref_squeeze %dma_wait3A_636 : memref<1x1280x32xf32, #tpu.memory_space<hbm>> -> memref<1280x32xf32, #tpu.memory_space<hbm>>
    tpu.wait_dma2 semaphore(%arg11 : memref<!tpu.dma_semaphore, #tpu.memory_space<semaphore_mem>>) src(%arg7 : memref<1280x32xf32, #tpu.memory_space<vmem>>) dst(%dma_wait3A_637 : memref<1280x32xf32, #tpu.memory_space<hbm>>)
    %dma_start3A_638 = arith.constant 19 : i32
    %dma_start3A_639 = arith.constant 0 : i32
    %dma_start3A_640 = tpu.memref_slice %arg5[%dma_start3A_638, %dma_start3A_639] : memref<20x1280xi32, #tpu.memory_space<vmem>> -> memref<1x1280xi32, #tpu.memory_space<vmem>>
    %dma_start3A_641 = tpu.memref_squeeze %dma_start3A_640 : memref<1x1280xi32, #tpu.memory_space<vmem>> -> memref<1280xi32, #tpu.memory_space<vmem>>
    %dma_start3A_642 = arith.constant 0 : i32
    %dma_start3A_643 = arith.constant 0 : i32
    %dma_start3A_644 = tpu.memref_slice %arg3[%dma_start3A_642, %dma_start3A_643] : memref<1000000x32xf32, #tpu.memory_space<hbm>> -> memref<1000000x32xf32, #tpu.memory_space<hbm>>
    tpu.enqueue_indirect_dma source(%dma_start3A_644 : memref<1000000x32xf32, #tpu.memory_space<hbm>>) target(%arg7 : memref<1280x32xf32, #tpu.memory_space<vmem>>) offsets(%dma_start3A_641 : memref<1280xi32, #tpu.memory_space<vmem>>) semaphore(%arg9 : memref<!tpu.dma_semaphore, #tpu.memory_space<semaphore_mem>>)
    %dma_wait3A_645 = arith.constant 0 : i32
    %dma_wait3A_646 = arith.constant 0 : i32
    %dma_wait3A_647 = arith.constant 0 : i32
    %dma_wait3A_648 = tpu.memref_slice %arg4[%dma_wait3A_645, %dma_wait3A_646, %dma_wait3A_647] : memref<640x1280x32xf32, #tpu.memory_space<hbm>> -> memref<1x1280x32xf32, #tpu.memory_space<hbm>>
    %dma_wait3A_649 = tpu.memref_squeeze %dma_wait3A_648 : memref<1x1280x32xf32, #tpu.memory_space<hbm>> -> memref<1280x32xf32, #tpu.memory_space<hbm>>
    %dma_wait3A_650 = arith.constant 0 : i32
    %dma_wait3A_651 = arith.constant 0 : i32
    %dma_wait3A_652 = tpu.memref_slice %arg4[%dma_wait3A_645, %dma_wait3A_650, %dma_wait3A_651] : memref<640x1280x32xf32, #tpu.memory_space<hbm>> -> memref<1x1280x32xf32, #tpu.memory_space<hbm>>
    %dma_wait3A_653 = tpu.memref_squeeze %dma_wait3A_652 : memref<1x1280x32xf32, #tpu.memory_space<hbm>> -> memref<1280x32xf32, #tpu.memory_space<hbm>>
    tpu.wait_dma2 semaphore(%arg8 : memref<!tpu.dma_semaphore, #tpu.memory_space<semaphore_mem>>) src(%dma_wait3A_653 : memref<1280x32xf32, #tpu.memory_space<hbm>>) dst(%arg6 : memref<1280x32xf32, #tpu.memory_space<vmem>>)
    %add3A_654 = arith.constant 18 : i32
    %add3A_655 = arith.addi %mul3A_2, %add3A_654 : i32
    %dma_start3A_656 = arith.constant 0 : i32
    %dma_start3A_657 = arith.constant 0 : i32
    %dma_start3A_658 = tpu.memref_slice %arg4[%add3A_655, %dma_start3A_656, %dma_start3A_657] : memref<640x1280x32xf32, #tpu.memory_space<hbm>> -> memref<1x1280x32xf32, #tpu.memory_space<hbm>>
    %dma_start3A_659 = tpu.memref_squeeze %dma_start3A_658 : memref<1x1280x32xf32, #tpu.memory_space<hbm>> -> memref<1280x32xf32, #tpu.memory_space<hbm>>
    %dma_start3A_660 = arith.constant 0 : i32
    %dma_start3A_661 = arith.constant 0 : i32
    %dma_start3A_662 = tpu.memref_slice %arg4[%add3A_655, %dma_start3A_660, %dma_start3A_661] : memref<640x1280x32xf32, #tpu.memory_space<hbm>> -> memref<1x1280x32xf32, #tpu.memory_space<hbm>>
    %dma_start3A_663 = tpu.memref_squeeze %dma_start3A_662 : memref<1x1280x32xf32, #tpu.memory_space<hbm>> -> memref<1280x32xf32, #tpu.memory_space<hbm>>
    tpu.enqueue_dma source(%arg6 : memref<1280x32xf32, #tpu.memory_space<vmem>>) target(%dma_start3A_663 : memref<1280x32xf32, #tpu.memory_space<hbm>>) target_semaphore(%arg10 : memref<!tpu.dma_semaphore, #tpu.memory_space<semaphore_mem>>)
    %dma_wait3A_664 = arith.constant 0 : i32
    %dma_wait3A_665 = arith.constant 0 : i32
    %dma_wait3A_666 = arith.constant 0 : i32
    %dma_wait3A_667 = tpu.memref_slice %arg4[%dma_wait3A_664, %dma_wait3A_665, %dma_wait3A_666] : memref<640x1280x32xf32, #tpu.memory_space<hbm>> -> memref<1x1280x32xf32, #tpu.memory_space<hbm>>
    %dma_wait3A_668 = tpu.memref_squeeze %dma_wait3A_667 : memref<1x1280x32xf32, #tpu.memory_space<hbm>> -> memref<1280x32xf32, #tpu.memory_space<hbm>>
    %dma_wait3A_669 = arith.constant 0 : i32
    %dma_wait3A_670 = arith.constant 0 : i32
    %dma_wait3A_671 = tpu.memref_slice %arg4[%dma_wait3A_664, %dma_wait3A_669, %dma_wait3A_670] : memref<640x1280x32xf32, #tpu.memory_space<hbm>> -> memref<1x1280x32xf32, #tpu.memory_space<hbm>>
    %dma_wait3A_672 = tpu.memref_squeeze %dma_wait3A_671 : memref<1x1280x32xf32, #tpu.memory_space<hbm>> -> memref<1280x32xf32, #tpu.memory_space<hbm>>
    tpu.wait_dma2 semaphore(%arg9 : memref<!tpu.dma_semaphore, #tpu.memory_space<semaphore_mem>>) src(%dma_wait3A_672 : memref<1280x32xf32, #tpu.memory_space<hbm>>) dst(%arg7 : memref<1280x32xf32, #tpu.memory_space<vmem>>)
    %add3A_673 = arith.constant 19 : i32
    %add3A_674 = arith.addi %mul3A_2, %add3A_673 : i32
    %dma_start3A_675 = arith.constant 0 : i32
    %dma_start3A_676 = arith.constant 0 : i32
    %dma_start3A_677 = tpu.memref_slice %arg4[%add3A_674, %dma_start3A_675, %dma_start3A_676] : memref<640x1280x32xf32, #tpu.memory_space<hbm>> -> memref<1x1280x32xf32, #tpu.memory_space<hbm>>
    %dma_start3A_678 = tpu.memref_squeeze %dma_start3A_677 : memref<1x1280x32xf32, #tpu.memory_space<hbm>> -> memref<1280x32xf32, #tpu.memory_space<hbm>>
    %dma_start3A_679 = arith.constant 0 : i32
    %dma_start3A_680 = arith.constant 0 : i32
    %dma_start3A_681 = tpu.memref_slice %arg4[%add3A_674, %dma_start3A_679, %dma_start3A_680] : memref<640x1280x32xf32, #tpu.memory_space<hbm>> -> memref<1x1280x32xf32, #tpu.memory_space<hbm>>
    %dma_start3A_682 = tpu.memref_squeeze %dma_start3A_681 : memref<1x1280x32xf32, #tpu.memory_space<hbm>> -> memref<1280x32xf32, #tpu.memory_space<hbm>>
    tpu.enqueue_dma source(%arg7 : memref<1280x32xf32, #tpu.memory_space<vmem>>) target(%dma_start3A_682 : memref<1280x32xf32, #tpu.memory_space<hbm>>) target_semaphore(%arg11 : memref<!tpu.dma_semaphore, #tpu.memory_space<semaphore_mem>>)
    %dma_wait3A_683 = arith.constant 0 : i32
    %dma_wait3A_684 = arith.constant 0 : i32
    %dma_wait3A_685 = arith.constant 0 : i32
    %dma_wait3A_686 = tpu.memref_slice %arg4[%dma_wait3A_683, %dma_wait3A_684, %dma_wait3A_685] : memref<640x1280x32xf32, #tpu.memory_space<hbm>> -> memref<1x1280x32xf32, #tpu.memory_space<hbm>>
    %dma_wait3A_687 = tpu.memref_squeeze %dma_wait3A_686 : memref<1x1280x32xf32, #tpu.memory_space<hbm>> -> memref<1280x32xf32, #tpu.memory_space<hbm>>
    %dma_wait3A_688 = arith.constant 0 : i32
    %dma_wait3A_689 = arith.constant 0 : i32
    %dma_wait3A_690 = tpu.memref_slice %arg4[%dma_wait3A_683, %dma_wait3A_688, %dma_wait3A_689] : memref<640x1280x32xf32, #tpu.memory_space<hbm>> -> memref<1x1280x32xf32, #tpu.memory_space<hbm>>
    %dma_wait3A_691 = tpu.memref_squeeze %dma_wait3A_690 : memref<1x1280x32xf32, #tpu.memory_space<hbm>> -> memref<1280x32xf32, #tpu.memory_space<hbm>>
    tpu.wait_dma2 semaphore(%arg10 : memref<!tpu.dma_semaphore, #tpu.memory_space<semaphore_mem>>) src(%arg6 : memref<1280x32xf32, #tpu.memory_space<vmem>>) dst(%dma_wait3A_691 : memref<1280x32xf32, #tpu.memory_space<hbm>>)
    %dma_wait3A_692 = arith.constant 0 : i32
    %dma_wait3A_693 = arith.constant 0 : i32
    %dma_wait3A_694 = arith.constant 0 : i32
    %dma_wait3A_695 = tpu.memref_slice %arg4[%dma_wait3A_692, %dma_wait3A_693, %dma_wait3A_694] : memref<640x1280x32xf32, #tpu.memory_space<hbm>> -> memref<1x1280x32xf32, #tpu.memory_space<hbm>>
    %dma_wait3A_696 = tpu.memref_squeeze %dma_wait3A_695 : memref<1x1280x32xf32, #tpu.memory_space<hbm>> -> memref<1280x32xf32, #tpu.memory_space<hbm>>
    %dma_wait3A_697 = arith.constant 0 : i32
    %dma_wait3A_698 = arith.constant 0 : i32
    %dma_wait3A_699 = tpu.memref_slice %arg4[%dma_wait3A_692, %dma_wait3A_697, %dma_wait3A_698] : memref<640x1280x32xf32, #tpu.memory_space<hbm>> -> memref<1x1280x32xf32, #tpu.memory_space<hbm>>
    %dma_wait3A_700 = tpu.memref_squeeze %dma_wait3A_699 : memref<1x1280x32xf32, #tpu.memory_space<hbm>> -> memref<1280x32xf32, #tpu.memory_space<hbm>>
    tpu.wait_dma2 semaphore(%arg11 : memref<!tpu.dma_semaphore, #tpu.memory_space<semaphore_mem>>) src(%arg7 : memref<1280x32xf32, #tpu.memory_space<vmem>>) dst(%dma_wait3A_700 : memref<1280x32xf32, #tpu.memory_space<hbm>>)
    return
  }
}

</mosaic_0001>

<sc_bundles>
// kernel: kernel.3.cloned.1.call-start
scs
__scs_entry_jumppad:
0x0: {  	(pc) =	sbr.rel $0x88, $3  }
0x1: {  	(tag) =	ssettag $0x0;
	lr =	simm.s32 $0x1  }
0x2: {  	[smem:$0x3F9F] =	sst lr;
	_ =	strace $0xD0000000  }
0x3: {  	_ = 	snop  }
0x4: {  	_ = 	snop  }
0x5: {  	_ = 	snop  }
0x6: {  	_ = 	snop  }
0x7: {  	_ = 	snop  }
__scs_overlays_trampoline_lowered:
0x8: {  	[smem:$0x3FAE] =	sst s0  }
0x9: {  	[smem:$0x3FAF] =	sst s1  }
0xa: {  	[smem:$0x3FB0] =	sst s2  }
0xb: {  	[smem:$0x3FB1] =	sst s3  }
0xc: {  	[smem:$0x3FB2] =	sst s4  }
0xd: {  	[smem:$0x3FB3] =	sst s5  }
0xe: {  	[smem:$0x3FB4] =	sst s6  }
0xf: {  	[smem:$0x3FB5] =	sst s7  }
0x10: {  	[smem:$0x3FB6] =	sst s8  }
0x11: {  	[smem:$0x3FB7] =	sst s9;
	s0 =	simm.s32 @!p0 $0x0  }
0x12: {  	s1 =	sld [smem:$0x3F9D];
	s0 =	simm.s32 @p0 $0x1  }
0x13: {  	[smem:$0x3FB8] =	sst s0;
	s0 =	simm.s32 @!p1 $0x0  }
0x14: {  	s2 =	sld [smem:$0x3F9C];
	s0 =	simm.s32 @p1 $0x1  }
0x15: {  	[smem:$0x3FB9] =	sst s0;
	s0 =	simm.s32 @!p2 $0x0  }
0x16: {  	s3 =	sld [smem:$0x3FDB];
	s0 =	simm.s32 @p2 $0x1  }
0x17: {  	s4 =	simm.s32 $0x1BF5;
	[smem:$0x3FBB] =	sst s0  }
0x18: {  	s0 =	sld [smem:$0x3F9E];
	_ =	swait.ge [sflag:s4], $0x0  }
0x19: {  	s7 =	sld [smem:$0x3F9F]  }
0x1a: {  	s8 =	sadd.s32 $0xFFFFE003, lr  }
0x1b: {  	s9 =	sadd.s32 $0xFFFFFEF7, lr;
	s5 =	simm.s32 $0xFFFFFFFF;
	p2 =	slt.u32 s8, $0xFFFFF086  }
0x1c: {  	p1 =	slt.u32 s9, $0xF7A;
	s5 =	simm.s32 @!p2 $0x0  }
0x1d: {  	s5 =	simm.s32 @p1 $0x1;
	p0 =	seq.s32 s7, s2  }
0x1e: {  	s7 =	smul.u32 @!p0 $0xF7A, s2;
	p2 =	seq.s32 @!p0 s5, $0x0  }
0x1f: {  	s9 =	smul.u32 $0xF7A, s1;
	s8 =	simm.s32 @!p0 $0x1BF5;
	p2 =	por !p2, p0  }
0x20: {  	[sflag:s8] =	ssyncset.s32 @!p0 $0xFFFFF086;
	s6 =	sadd.s32 @!p0 s3, s7;
	s7 =	simm.s32 @!p0 $0x108  }
0x21: {  	s3 =	sadd.s32 s3, s9;
	s6 =	sadd.s32 @!p0 $0x88, s6;
	s7 =	simm.s32 @p2 $0x1082  }
0x22: {  	[simem:s7], [sflag:s8] =	dma.local @!p0 [hbm:s6], $0xF7A  }
0x23: {  	s9 =	sor.u32 $0xD0000000, s2;
	s6 =	simm.s32 $0x108;
	_ =	swait.ge @!p0 [sflag:s8], $0x0  }
0x24: {  	s3 =	sadd.s32 $0x88, s3;
	s6 =	simm.s32 @!p1 $0x1082;
	[sflag:s4] =	ssyncset.s32 $0xFFFFF086  }
0x25: {  	[simem:s6], [sflag:s4] =	dma.local [hbm:s3], $0xF7A  }
0x26: {  	[smem:$0x3F9F] =	sst s1;
	(tag) =	ssettag s2;
	_ =	strace s9  }
0x27: {  	s1 =	sld [smem:$0x3FAF]  }
0x28: {  	s2 =	sld [smem:$0x3FB0]  }
0x29: {  	s4 =	sld [smem:$0x3FB2]  }
0x2a: {  	p0 =	seq.s32 s5, $0x0;
	s5 =	sld [smem:$0x3FB3]  }
0x2b: {  	s6 =	sld [smem:$0x3FB4]  }
0x2c: {  	s7 =	sld [smem:$0x3FB5]  }
0x2d: {  	s3 =	simm.s32 $0x108;
	s8 =	sld [smem:$0x3FB6]  }
0x2e: {  	s3 =	simm.s32 @!p0 $0x1082;
	s9 =	sld [smem:$0x3FB7]  }
0x2f: {  	lr =	sadd.s32 s0, s3;
	s0 =	sld [smem:$0x3FAE]  }
0x30: {  	s3 =	sld [smem:$0x3FB1]  }
0x31: {  	[smem:$0x3FBA] =	sst s10  }
0x32: {  	s10 =	sld [smem:$0x3FB8];
	_ =	sdelay $0x3  }
0x33: {  	p0 =	seq.s32 s10, $0x1;
	s10 =	sld [smem:$0x3FBA];
	_ =	sdelay $0x3  }
0x34: {  	[smem:$0x3FBA] =	sst s10  }
0x35: {  	s10 =	sld [smem:$0x3FB9];
	_ =	sdelay $0x3  }
0x36: {  	p1 =	seq.s32 s10, $0x1;
	s10 =	sld [smem:$0x3FBA];
	_ =	sdelay $0x3  }
0x37: {  	[smem:$0x3FBA] =	sst s10  }
0x38: {  	s10 =	sld [smem:$0x3FBB]  }
0x39: {  	_ = 	snop;
	(pc) =	sbr.ind lr, $3  }
0x3a: {  	_ = 	snop  }
0x3b: {  	_ = 	snop  }
0x3c: {  	p2 =	seq.s32 s10, $0x1;
	s10 =	sld [smem:$0x3FBA]  }
0x3d: {  	_ =	shalt  }
0x3e: {  	_ =	shalt  }
0x3f: {  	_ =	shalt  }
0x40: {  	_ =	shalt  }
0x41: {  	_ =	shalt  }
0x42: {  	_ =	shalt  }
0x43: {  	_ =	shalt  }
0x44: {  	_ =	shalt  }
0x45: {  	_ =	shalt  }
0x46: {  	_ =	shalt  }
0x47: {  	_ =	shalt  }
0x48: {  	_ =	shalt  }
0x49: {  	_ =	shalt  }
0x4a: {  	_ =	shalt  }
0x4b: {  	_ =	shalt  }
0x4c: {  	_ =	shalt  }
0x4d: {  	_ =	shalt  }
0x4e: {  	_ =	shalt  }
0x4f: {  	_ =	shalt  }
0x50: {  	_ =	shalt  }
0x51: {  	_ =	shalt  }
0x52: {  	_ =	shalt  }
0x53: {  	_ =	shalt  }
0x54: {  	_ =	shalt  }
0x55: {  	_ =	shalt  }
0x56: {  	_ =	shalt  }
0x57: {  	_ =	shalt  }
0x58: {  	_ =	shalt  }
0x59: {  	_ =	shalt  }
0x5a: {  	_ =	shalt  }
0x5b: {  	_ =	shalt  }
0x5c: {  	_ =	shalt  }
0x5d: {  	_ =	shalt  }
0x5e: {  	_ =	shalt  }
0x5f: {  	_ =	shalt  }
0x60: {  	_ =	shalt  }
0x61: {  	_ =	shalt  }
0x62: {  	_ =	shalt  }
0x63: {  	_ =	shalt  }
0x64: {  	_ =	shalt  }
0x65: {  	_ =	shalt  }
0x66: {  	_ =	shalt  }
0x67: {  	_ =	shalt  }
0x68: {  	_ =	shalt  }
0x69: {  	_ =	shalt  }
0x6a: {  	_ =	shalt  }
0x6b: {  	_ =	shalt  }
0x6c: {  	_ =	shalt  }
0x6d: {  	_ =	shalt  }
0x6e: {  	_ =	shalt  }
0x6f: {  	_ =	shalt  }
0x70: {  	_ =	shalt  }
0x71: {  	_ =	shalt  }
0x72: {  	_ =	shalt  }
0x73: {  	_ =	shalt  }
0x74: {  	_ =	shalt  }
0x75: {  	_ =	shalt  }
0x76: {  	_ =	shalt  }
0x77: {  	_ =	shalt  }
0x78: {  	_ =	shalt  }
0x79: {  	_ =	shalt  }
0x7a: {  	_ =	shalt  }
0x7b: {  	_ =	shalt  }
0x7c: {  	_ =	shalt  }
0x7d: {  	_ =	shalt  }
0x7e: {  	_ =	shalt  }
0x7f: {  	_ =	shalt  }
0x80: {  	_ =	shalt  }
0x81: {  	_ =	shalt  }
0x82: {  	_ =	shalt  }
0x83: {  	_ =	shalt  }
0x84: {  	_ =	shalt  }
0x85: {  	_ =	shalt  }
0x86: {  	_ =	shalt  }
0x87: {  	_ =	shalt  }
.Lfunc_end0:
.L_simem_size_0:
called_computation.2_lowered:
.L_overlay_start_0:
0x88: {  	s2 =	sld [smem:$0x3FD9]  }
0x89: {  	s3 =	sld [smem:$0x3FFE];
	_ =	sdelay $0x1  }
0x8a: {  	s1 =	srdreg.scid  }
0x8b: {  	s0 =	sand.u32 $0x1, s1  }
0x8c: {  	s17 =	sshll.u32 s0, $0xA;
	s2 =	sadd.s32 s3, s2  }
0x8d: {  	s2 =	sadd.s32 s2, s17  }
0x8e: {  	[smem:$0x3FC6] =	sst s2  }
0x8f: {  	_ = 	snop  }
0x90: {  	s2 =	sld [smem:$0x3FD0];
	(tm) =	ssettm $0x1  }
0x91: {  	s18 =	sld [smem:$0x3FFB];
	_ =	sdelay $0x3  }
0x92: {  	_ =	strace s18  }
0x93: {  	s3 =	sld [smem:$0x3FFC];
	_ =	sdelay $0x3  }
0x94: {  	_ =	strace s3  }
0x95: {  	s3 =	sld [smem:$0x3FFD];
	_ =	sdelay $0x3  }
0x96: {  	_ =	strace s3  }
0x97: {  	_ =	strace $0x8FFFFFFF  }
0x98: {  	s19 =	sld [smem:$0x3FDB];
	_ =	sdelay $0x1  }
0x99: {  	s4 =	simm.s32 $_scs_section_size  }
0x9a: {  	s5 =	simm.s32 $_size__tile_overlayer_lowered;
	s6 =	simm.s32 $_tile_overlayer_lowered  }
0x9b: {  	s22 =	simm.s32 $0x1BFF;
	s21 =	sshll.u32 s6, $0x1;
	s3 =	sadd.s32 s4, s19  }
0x9c: {  	s7 =	simm.s32 $0x0;
	s20 =	sshll.u32 s5, $0x1;
	s5 =	sadd.s32 s21, s3  }
0x9d: {  	[timem:s7], [sflag:s22] =	dma.local [hbm:s5], s20  }
0x9e: {  	_ =	swait.ge [sflag:s22], s20  }
0x9f: {  	s4 =	ssub.s32 $0x0, s20;
	[sflag:s22] =	ssyncset.done $0x0  }
0xa0: {  	[sflag:s22] =	ssyncadd.s32 s4;
	_ =	sdelay $0x1  }
0xa1: {  	s23 =	simm.s32 $0x1B8B  }
0xa2: {  	_ =	swait.ge [sflag:s23], $0x1  }
0xa3: {  	[sflag:s23] =	ssyncset.done $0x0  }
0xa4: {  	s25 =	simm.s32 $0x1B8E;
	s24 =	sld [smem:$0x3FFE];
	[sflag:s23] =	ssyncadd.s32 $0xFFFFFFFF  }
0xa5: {  	s26 =	simm.s32 $execute0_lowered;
	[smem:$0x3FD2] =	sst s25  }
0xa6: {  	s5 =	sshll.u32 s26, $0x1;
	_ =	strace $0x80000046;
	[dreg:$0x1] =	wrdreg $0xFFFFFFFF  }
0xa7: {  	s28 =	simm.s32 $_size_execute0_lowered;
	s3 =	sadd.s32 s3, s5;
	[dreg:$0x0] =	wrdreg $0x0  }
0xa8: {  	s5 =	sshll.u32 s28, $0x1;
	[dreg:$0x2] =	wrdreg s3  }
0xa9: {  	[dreg:$0x3] =	wrdreg s5  }
0xaa: {  	[dreg:$0x4] =	wrdreg $0xC0  }
0xab: {  	_ =	task [dreg:s7], $0x5FFFF  }
0xac: {  	[dreg:$0x1] =	wrdreg $0xFFFFFFFF  }
0xad: {  	[dreg:$0x0] =	wrdreg $0x60  }
0xae: {  	[dreg:$0x2] =	wrdreg s24  }
0xaf: {  	[dreg:$0x3] =	wrdreg s2  }
0xb0: {  	[dreg:$0x4] =	wrdreg $0x9  }
0xb1: {  	_ =	task.clear_ibuf [dreg:s7], $0x5FFFF;
	_ =	strace $0x90000046  }
0xb2: {  	s29 =	simm.s32 $0x9;
	_ =	strace $0x80000048  }
0xb3: {  	_ =	swait.ge [sflag:s29], $0x1  }
0xb4: {  	[sflag:s29] =	ssyncadd.s32 $0xFFFFFFFF  }
0xb5: {  	_ =	strace $0x90000048  }
0xb6: {  	_ =	sfence  }
0xb7: {  	s30 =	sld [smem:$0x0];
	_ =	sdelay $0x2  }
0xb8: {  	s31 =	sshll.u32 s1, $0xD;
	s1 =	sshrl.u32 s1, $0x2  }
0xb9: {  	s3 =	sand.u32 $0x4000, s31;
	s1 =	sadd.s32 s1, s30  }
0xba: {  	s0 =	sor.u32 s3, s0;
	s1 =	sshll.u32 s1, $0x11  }
0xbb: {  	s0 =	sor.u32 s1, s0  }
0xbc: {  	s0 =	sadd.s32 $0x8F2B, s0  }
0xbd: {  	[sflag:s0] =	ssyncadd.remote.s32 $0x1  }
0xbe: {  	_ =	sfence.sel $0xFFFF  }
0xbf: {  	[dreg:$0x0] =	wrdreg $0xFFFFFFFF;
	(pc) =	sbr.abs _section_cstart, $3  }
0xc0: {  	[dreg:$0x1] =	wrdreg $0xFFFFFFFF  }
0xc1: {  	_ =	task.clear_ibuf [dreg:s7], $0x2FFFF;
	_ =	strace $0x9FFFFFFF  }
0xc2: {  	(tm) =	ssettm $0x7FFFFFFF  }
0xc3: {  	_ =	shalt  }
tec
execute0_lowered:
.L_overlay_start_1:
0x0: {  	(tag) =	ssettag $0x1  }
0x1: {  	s0 =	srdreg.scid;
	s1 =	stileid.u32  }
0x2: {  	s0 =	sand.u32 $0x1, s0;
	s1 =	sshll.u32 s1, $0x1  }
0x3: {  	s1 =	sor.u32 s0, s1  }
0x4: {  	s5 =	smul.u32 $0xC80, s1  }
0x5: {  	s3 =	rddreg [dreg:$0x0];
	s2 =	simm.s32 $0x0;
	s6 =	smul.u32 $0xC8000, s1  }
0x6: {  	[smem:$0x7FF] =	sst s2;
	s1 =	smul.u32 $0x19000, s1  }
0x7: {  	s4 =	rddreg [dreg:$0x1];
	_ =	strace $0x80000047  }
0x8: {  	s5 =	sadd.s32 s5, s3;
	s6 =	sshrl.u32 s6, $0x3;
	s1 =	sadd.s32 s4, s1  }
0x9: {  	s5 =	sadd.s32 $0xE00, s5;
	s4 =	sadd.s32 s4, s6;
	[dreg:$0x4] =	wrdreg s1  }
0xa: {  	[dreg:$0x3] =	wrdreg s5;
	s8 =	sadd.s32 $0x1400, s4  }
0xb: {  	s31 =	simm.s32 $0x5;
	s9 =	sadd.s32 $0x2800, s4;
	[dreg:$0x5] =	wrdreg s8  }
0xc: {  	s7 =	simm.s32 $0x10400;
	s10 =	sadd.s32 $0x3C00, s4;
	[dreg:$0x6] =	wrdreg s9  }
0xd: {  	s30 =	simm.s32 $0xA00;
	s11 =	sadd.s32 $0x5000, s4;
	[dreg:$0x7] =	wrdreg s10  }
0xe: {  	s29 =	simm.s32 $0xF00;
	s12 =	sadd.s32 $0x6400, s4;
	[dreg:$0x8] =	wrdreg s11  }
0xf: {  	s28 =	simm.s32 $0x1400;
	s13 =	sadd.s32 $0x7800, s4;
	[dreg:$0x9] =	wrdreg s12  }
0x10: {  	p0 =	por $0x0, $0x0;
	s14 =	sadd.s32 $0x8C00, s4;
	[dreg:$0xa] =	wrdreg s13  }
0x11: {  	s0 =	ssub.s32 $0x2, s0;
	s15 =	sadd.s32 $0xA000, s4;
	[dreg:$0xb] =	wrdreg s14  }
0x12: {  	s24 =	sshrl.u32 s0, $0x1;
	s16 =	sadd.s32 $0xB400, s4;
	[dreg:$0xc] =	wrdreg s15  }
0x13: {  	s0 =	ssub.s32 s0, s24;
	s17 =	sadd.s32 $0xC800, s4;
	[dreg:$0xd] =	wrdreg s16  }
0x14: {  	s24 =	simm.s32 $0x2300;
	s18 =	sadd.s32 $0xDC00, s4;
	[dreg:$0xe] =	wrdreg s17  }
0x15: {  	s3 =	sadd.s32 $0xF43200, s3;
	s19 =	sadd.s32 $0xF000, s4;
	[dreg:$0xf] =	wrdreg s18  }
0x16: {  	s0 =	smax.u32 s0, $0x1;
	s20 =	sadd.s32 $0x10400, s4;
	[dreg:$0x10] =	wrdreg s19  }
0x17: {  	s6 =	simm.s32 $0x4;
	s21 =	sadd.s32 $0x11800, s4;
	[dreg:$0x11] =	wrdreg s20  }
0x18: {  	p1 =	sne.s32 s0, $0x1;
	s22 =	sadd.s32 $0x12C00, s4;
	[dreg:$0x12] =	wrdreg s21  }
0x19: {  	s1 =	sadd.s32 $0xFFFFFFFF, s0;
	s23 =	sadd.s32 $0x14000, s4;
	[dreg:$0x13] =	wrdreg s22  }
0x1a: {  	s25 =	sadd.s32 $0x15400, s4;
	s26 =	sadd.s32 $0x16800, s4;
	[dreg:$0x14] =	wrdreg s23  }
0x1b: {  	s4 =	sadd.s32 $0x17C00, s4;
	s5 =	simm.s32 $0x3;
	[dreg:$0x15] =	wrdreg s25  }
0x1c: {  	[dreg:$0x16] =	wrdreg s26;
	s11 =	simm.s32 $0x500;
	s8 =	simm.s32 $0x6400  }
0x1d: {  	s10 =	simm.s32 $0x1;
	s9 =	simm.s32 $0x2;
	s26 =	simm.s32 $0x1900  }
.Ltmp0:
0x1e: {  	s25 =	simm.s32 $0x1E00;
	s23 =	simm.s32 $0x2800;
	(pc) =	sbr.rel @!p1 .LBB2_3-.Ltmp0, $4  }
0x1f: {  	s22 =	simm.s32 $0x2D00;
	s21 =	simm.s32 $0x3200;
	s20 =	simm.s32 $0x3700  }
0x20: {  	s19 =	simm.s32 $0x3C00;
	s18 =	simm.s32 $0x4100;
	s17 =	simm.s32 $0x4600  }
0x21: {  	s16 =	simm.s32 $0x4B00;
	s15 =	simm.s32 $0x5000;
	s14 =	simm.s32 $0x5500  }
0x22: {  	s13 =	simm.s32 $0x5A00;
	s12 =	simm.s32 $0x5F00;
	s0 =	rddreg [dreg:$0x3]  }
0x23: {  	[tilespmem:s2], [sflag:$0x5] =	stream.linear.gather [hbm4b:s0+s2], $0x6400, $0x38;
	[tilespmem:$0x1A400] =	vst v63  }
0x24: {  	_ =	swait.ge [sflag:s31], $0x6400  }
0x25: {  	[sflag:s31] =	ssyncset.done $0x0  }
0x26: {  	[sflag:s31] =	ssyncadd.s32 $0xFFFF9C00  }
0x27: {  	[tilespmem:s8], [sflag:$0x1] =	stream.indirect.gather [hbm4b:s3+s11], $0x20, s2, s11, $0xb8;
	[tilespmem:$0x1A400] =	vst v63  }
0x28: {  	_ = 	snop  }
0x29: {  	[tilespmem:s7], [sflag:$0x2] =	stream.indirect.gather [hbm4b:s3+s11], $0x20, s11, s11, $0xb8;
	[tilespmem:$0x1A400] =	vst v63  }
0x2a: {  	_ =	swait.ge [sflag:s10], $0xA000  }
0x2b: {  	[sflag:s10] =	ssyncset.done $0x0  }
0x2c: {  	s0 =	rddreg [dreg:$0x4];
	[sflag:s10] =	ssyncadd.s32 $0xFFFF6000  }
0x2d: {  	[hbm4b:s0+s2] =	stream.linear.scatter [tilespmem:s8], [sflag:$0x3], $0xA000, $0x38;
	[tilespmem:$0x1A400] =	vst v63  }
0x2e: {  	_ =	swait.ge [sflag:s5], $0xA000  }
0x2f: {  	[sflag:s5] =	ssyncset.done $0x0  }
0x30: {  	[sflag:s5] =	ssyncadd.s32 $0xFFFF6000  }
0x31: {  	[tilespmem:s8], [sflag:$0x1] =	stream.indirect.gather [hbm4b:s3+s11], $0x20, s30, s11, $0xb8;
	[tilespmem:$0x1A400] =	vst v63  }
0x32: {  	_ =	swait.ge [sflag:s9], $0xA000  }
0x33: {  	[sflag:s9] =	ssyncset.done $0x0  }
0x34: {  	s0 =	rddreg [dreg:$0x5];
	[sflag:s9] =	ssyncadd.s32 $0xFFFF6000  }
0x35: {  	[hbm4b:s0+s2] =	stream.linear.scatter [tilespmem:s7], [sflag:$0x4], $0xA000, $0x38;
	[tilespmem:$0x1A400] =	vst v63  }
0x36: {  	_ =	swait.ge [sflag:s6], $0xA000  }
0x37: {  	[sflag:s6] =	ssyncset.done $0x0  }
0x38: {  	[sflag:s6] =	ssyncadd.s32 $0xFFFF6000  }
0x39: {  	[tilespmem:s7], [sflag:$0x2] =	stream.indirect.gather [hbm4b:s3+s11], $0x20, s29, s11, $0xb8;
	[tilespmem:$0x1A400] =	vst v63  }
0x3a: {  	_ =	swait.ge [sflag:s10], $0xA000  }
0x3b: {  	[sflag:s10] =	ssyncset.done $0x0  }
0x3c: {  	s0 =	rddreg [dreg:$0x6];
	[sflag:s10] =	ssyncadd.s32 $0xFFFF6000  }
0x3d: {  	[hbm4b:s0+s2] =	stream.linear.scatter [tilespmem:s8], [sflag:$0x3], $0xA000, $0x38;
	[tilespmem:$0x1A400] =	vst v63  }
0x3e: {  	_ =	swait.ge [sflag:s5], $0xA000  }
0x3f: {  	[sflag:s5] =	ssyncset.done $0x0  }
0x40: {  	[sflag:s5] =	ssyncadd.s32 $0xFFFF6000  }
0x41: {  	[tilespmem:s8], [sflag:$0x1] =	stream.indirect.gather [hbm4b:s3+s11], $0x20, s28, s11, $0xb8;
	[tilespmem:$0x1A400] =	vst v63  }
0x42: {  	_ =	swait.ge [sflag:s9], $0xA000  }
0x43: {  	[sflag:s9] =	ssyncset.done $0x0  }
0x44: {  	s0 =	rddreg [dreg:$0x7];
	[sflag:s9] =	ssyncadd.s32 $0xFFFF6000  }
0x45: {  	[hbm4b:s0+s2] =	stream.linear.scatter [tilespmem:s7], [sflag:$0x4], $0xA000, $0x38;
	[tilespmem:$0x1A400] =	vst v63  }
0x46: {  	_ =	swait.ge [sflag:s6], $0xA000  }
0x47: {  	[sflag:s6] =	ssyncset.done $0x0  }
0x48: {  	[sflag:s6] =	ssyncadd.s32 $0xFFFF6000  }
0x49: {  	[tilespmem:s7], [sflag:$0x2] =	stream.indirect.gather [hbm4b:s3+s11], $0x20, s26, s11, $0xb8;
	[tilespmem:$0x1A400] =	vst v63  }
0x4a: {  	_ =	swait.ge [sflag:s10], $0xA000  }
0x4b: {  	[sflag:s10] =	ssyncset.done $0x0  }
0x4c: {  	s0 =	rddreg [dreg:$0x8];
	[sflag:s10] =	ssyncadd.s32 $0xFFFF6000  }
0x4d: {  	[hbm4b:s0+s2] =	stream.linear.scatter [tilespmem:s8], [sflag:$0x3], $0xA000, $0x38;
	[tilespmem:$0x1A400] =	vst v63  }
0x4e: {  	_ =	swait.ge [sflag:s5], $0xA000  }
0x4f: {  	[sflag:s5] =	ssyncset.done $0x0  }
0x50: {  	[sflag:s5] =	ssyncadd.s32 $0xFFFF6000  }
0x51: {  	[tilespmem:s8], [sflag:$0x1] =	stream.indirect.gather [hbm4b:s3+s11], $0x20, s25, s11, $0xb8;
	[tilespmem:$0x1A400] =	vst v63  }
0x52: {  	_ =	swait.ge [sflag:s9], $0xA000  }
0x53: {  	[sflag:s9] =	ssyncset.done $0x0  }
0x54: {  	s0 =	rddreg [dreg:$0x9];
	[sflag:s9] =	ssyncadd.s32 $0xFFFF6000  }
0x55: {  	[hbm4b:s0+s2] =	stream.linear.scatter [tilespmem:s7], [sflag:$0x4], $0xA000, $0x38;
	[tilespmem:$0x1A400] =	vst v63  }
0x56: {  	_ =	swait.ge [sflag:s6], $0xA000  }
0x57: {  	[sflag:s6] =	ssyncset.done $0x0  }
0x58: {  	[sflag:s6] =	ssyncadd.s32 $0xFFFF6000  }
0x59: {  	[tilespmem:s7], [sflag:$0x2] =	stream.indirect.gather [hbm4b:s3+s11], $0x20, s24, s11, $0xb8;
	[tilespmem:$0x1A400] =	vst v63  }
0x5a: {  	_ =	swait.ge [sflag:s10], $0xA000  }
0x5b: {  	[sflag:s10] =	ssyncset.done $0x0  }
0x5c: {  	s0 =	rddreg [dreg:$0xa];
	[sflag:s10] =	ssyncadd.s32 $0xFFFF6000  }
0x5d: {  	[hbm4b:s0+s2] =	stream.linear.scatter [tilespmem:s8], [sflag:$0x3], $0xA000, $0x38;
	[tilespmem:$0x1A400] =	vst v63  }
0x5e: {  	_ =	swait.ge [sflag:s5], $0xA000  }
0x5f: {  	[sflag:s5] =	ssyncset.done $0x0  }
0x60: {  	[sflag:s5] =	ssyncadd.s32 $0xFFFF6000  }
0x61: {  	[tilespmem:s8], [sflag:$0x1] =	stream.indirect.gather [hbm4b:s3+s11], $0x20, s23, s11, $0xb8;
	[tilespmem:$0x1A400] =	vst v63  }
0x62: {  	_ =	swait.ge [sflag:s9], $0xA000  }
0x63: {  	[sflag:s9] =	ssyncset.done $0x0  }
0x64: {  	s0 =	rddreg [dreg:$0xb];
	[sflag:s9] =	ssyncadd.s32 $0xFFFF6000  }
0x65: {  	[hbm4b:s0+s2] =	stream.linear.scatter [tilespmem:s7], [sflag:$0x4], $0xA000, $0x38;
	[tilespmem:$0x1A400] =	vst v63  }
0x66: {  	_ =	swait.ge [sflag:s6], $0xA000  }
0x67: {  	[sflag:s6] =	ssyncset.done $0x0  }
0x68: {  	[sflag:s6] =	ssyncadd.s32 $0xFFFF6000  }
0x69: {  	[tilespmem:s7], [sflag:$0x2] =	stream.indirect.gather [hbm4b:s3+s11], $0x20, s22, s11, $0xb8;
	[tilespmem:$0x1A400] =	vst v63  }
0x6a: {  	_ =	swait.ge [sflag:s10], $0xA000  }
0x6b: {  	[sflag:s10] =	ssyncset.done $0x0  }
0x6c: {  	s0 =	rddreg [dreg:$0xc];
	[sflag:s10] =	ssyncadd.s32 $0xFFFF6000  }
0x6d: {  	[hbm4b:s0+s2] =	stream.linear.scatter [tilespmem:s8], [sflag:$0x3], $0xA000, $0x38;
	[tilespmem:$0x1A400] =	vst v63  }
0x6e: {  	_ =	swait.ge [sflag:s5], $0xA000  }
0x6f: {  	[sflag:s5] =	ssyncset.done $0x0  }
0x70: {  	[sflag:s5] =	ssyncadd.s32 $0xFFFF6000  }
0x71: {  	[tilespmem:s8], [sflag:$0x1] =	stream.indirect.gather [hbm4b:s3+s11], $0x20, s21, s11, $0xb8;
	[tilespmem:$0x1A400] =	vst v63  }
0x72: {  	_ =	swait.ge [sflag:s9], $0xA000  }
0x73: {  	[sflag:s9] =	ssyncset.done $0x0  }
0x74: {  	s0 =	rddreg [dreg:$0xd];
	[sflag:s9] =	ssyncadd.s32 $0xFFFF6000  }
0x75: {  	[hbm4b:s0+s2] =	stream.linear.scatter [tilespmem:s7], [sflag:$0x4], $0xA000, $0x38;
	[tilespmem:$0x1A400] =	vst v63  }
0x76: {  	_ =	swait.ge [sflag:s6], $0xA000  }
0x77: {  	[sflag:s6] =	ssyncset.done $0x0  }
0x78: {  	[sflag:s6] =	ssyncadd.s32 $0xFFFF6000  }
0x79: {  	[tilespmem:s7], [sflag:$0x2] =	stream.indirect.gather [hbm4b:s3+s11], $0x20, s20, s11, $0xb8;
	[tilespmem:$0x1A400] =	vst v63  }
0x7a: {  	_ =	swait.ge [sflag:s10], $0xA000  }
0x7b: {  	[sflag:s10] =	ssyncset.done $0x0  }
0x7c: {  	s0 =	rddreg [dreg:$0xe];
	[sflag:s10] =	ssyncadd.s32 $0xFFFF6000  }
0x7d: {  	[hbm4b:s0+s2] =	stream.linear.scatter [tilespmem:s8], [sflag:$0x3], $0xA000, $0x38;
	[tilespmem:$0x1A400] =	vst v63  }
0x7e: {  	_ =	swait.ge [sflag:s5], $0xA000  }
0x7f: {  	[sflag:s5] =	ssyncset.done $0x0  }
0x80: {  	[sflag:s5] =	ssyncadd.s32 $0xFFFF6000  }
0x81: {  	[tilespmem:s8], [sflag:$0x1] =	stream.indirect.gather [hbm4b:s3+s11], $0x20, s19, s11, $0xb8;
	[tilespmem:$0x1A400] =	vst v63  }
0x82: {  	_ =	swait.ge [sflag:s9], $0xA000  }
0x83: {  	[sflag:s9] =	ssyncset.done $0x0  }
0x84: {  	s0 =	rddreg [dreg:$0xf];
	[sflag:s9] =	ssyncadd.s32 $0xFFFF6000  }
0x85: {  	[hbm4b:s0+s2] =	stream.linear.scatter [tilespmem:s7], [sflag:$0x4], $0xA000, $0x38;
	[tilespmem:$0x1A400] =	vst v63  }
0x86: {  	_ =	swait.ge [sflag:s6], $0xA000  }
0x87: {  	[sflag:s6] =	ssyncset.done $0x0  }
0x88: {  	[sflag:s6] =	ssyncadd.s32 $0xFFFF6000  }
0x89: {  	[tilespmem:s7], [sflag:$0x2] =	stream.indirect.gather [hbm4b:s3+s11], $0x20, s18, s11, $0xb8;
	[tilespmem:$0x1A400] =	vst v63  }
0x8a: {  	_ =	swait.ge [sflag:s10], $0xA000  }
0x8b: {  	[sflag:s10] =	ssyncset.done $0x0  }
0x8c: {  	s0 =	rddreg [dreg:$0x10];
	[sflag:s10] =	ssyncadd.s32 $0xFFFF6000  }
0x8d: {  	[hbm4b:s0+s2] =	stream.linear.scatter [tilespmem:s8], [sflag:$0x3], $0xA000, $0x38;
	[tilespmem:$0x1A400] =	vst v63  }
0x8e: {  	_ =	swait.ge [sflag:s5], $0xA000  }
0x8f: {  	[sflag:s5] =	ssyncset.done $0x0  }
0x90: {  	[sflag:s5] =	ssyncadd.s32 $0xFFFF6000  }
0x91: {  	[tilespmem:s8], [sflag:$0x1] =	stream.indirect.gather [hbm4b:s3+s11], $0x20, s17, s11, $0xb8;
	[tilespmem:$0x1A400] =	vst v63  }
0x92: {  	_ =	swait.ge [sflag:s9], $0xA000  }
0x93: {  	[sflag:s9] =	ssyncset.done $0x0  }
0x94: {  	s0 =	rddreg [dreg:$0x11];
	[sflag:s9] =	ssyncadd.s32 $0xFFFF6000  }
0x95: {  	[hbm4b:s0+s2] =	stream.linear.scatter [tilespmem:s7], [sflag:$0x4], $0xA000, $0x38;
	[tilespmem:$0x1A400] =	vst v63  }
0x96: {  	_ =	swait.ge [sflag:s6], $0xA000  }
0x97: {  	[sflag:s6] =	ssyncset.done $0x0  }
0x98: {  	[sflag:s6] =	ssyncadd.s32 $0xFFFF6000  }
0x99: {  	[tilespmem:s7], [sflag:$0x2] =	stream.indirect.gather [hbm4b:s3+s11], $0x20, s16, s11, $0xb8;
	[tilespmem:$0x1A400] =	vst v63  }
0x9a: {  	_ =	swait.ge [sflag:s10], $0xA000  }
0x9b: {  	[sflag:s10] =	ssyncset.done $0x0  }
0x9c: {  	s0 =	rddreg [dreg:$0x12];
	[sflag:s10] =	ssyncadd.s32 $0xFFFF6000  }
0x9d: {  	[hbm4b:s0+s2] =	stream.linear.scatter [tilespmem:s8], [sflag:$0x3], $0xA000, $0x38;
	[tilespmem:$0x1A400] =	vst v63  }
0x9e: {  	_ =	swait.ge [sflag:s5], $0xA000  }
0x9f: {  	[sflag:s5] =	ssyncset.done $0x0  }
0xa0: {  	[sflag:s5] =	ssyncadd.s32 $0xFFFF6000  }
0xa1: {  	[tilespmem:s8], [sflag:$0x1] =	stream.indirect.gather [hbm4b:s3+s11], $0x20, s15, s11, $0xb8;
	[tilespmem:$0x1A400] =	vst v63  }
0xa2: {  	_ =	swait.ge [sflag:s9], $0xA000  }
0xa3: {  	[sflag:s9] =	ssyncset.done $0x0  }
0xa4: {  	s0 =	rddreg [dreg:$0x13];
	[sflag:s9] =	ssyncadd.s32 $0xFFFF6000  }
0xa5: {  	[hbm4b:s0+s2] =	stream.linear.scatter [tilespmem:s7], [sflag:$0x4], $0xA000, $0x38;
	[tilespmem:$0x1A400] =	vst v63  }
0xa6: {  	_ =	swait.ge [sflag:s6], $0xA000  }
0xa7: {  	[sflag:s6] =	ssyncset.done $0x0  }
0xa8: {  	[sflag:s6] =	ssyncadd.s32 $0xFFFF6000  }
0xa9: {  	[tilespmem:s7], [sflag:$0x2] =	stream.indirect.gather [hbm4b:s3+s11], $0x20, s14, s11, $0xb8;
	[tilespmem:$0x1A400] =	vst v63  }
0xaa: {  	_ =	swait.ge [sflag:s10], $0xA000  }
0xab: {  	[sflag:s10] =	ssyncset.done $0x0  }
0xac: {  	s0 =	rddreg [dreg:$0x14];
	[sflag:s10] =	ssyncadd.s32 $0xFFFF6000  }
0xad: {  	[hbm4b:s0+s2] =	stream.linear.scatter [tilespmem:s8], [sflag:$0x3], $0xA000, $0x38;
	[tilespmem:$0x1A400] =	vst v63  }
0xae: {  	_ =	swait.ge [sflag:s5], $0xA000  }
0xaf: {  	[sflag:s5] =	ssyncset.done $0x0  }
0xb0: {  	[sflag:s5] =	ssyncadd.s32 $0xFFFF6000  }
0xb1: {  	[tilespmem:s8], [sflag:$0x1] =	stream.indirect.gather [hbm4b:s3+s11], $0x20, s13, s11, $0xb8;
	[tilespmem:$0x1A400] =	vst v63  }
0xb2: {  	_ =	swait.ge [sflag:s9], $0xA000  }
0xb3: {  	[sflag:s9] =	ssyncset.done $0x0  }
0xb4: {  	s0 =	rddreg [dreg:$0x15];
	[sflag:s9] =	ssyncadd.s32 $0xFFFF6000  }
0xb5: {  	[hbm4b:s0+s2] =	stream.linear.scatter [tilespmem:s7], [sflag:$0x4], $0xA000, $0x38;
	[tilespmem:$0x1A400] =	vst v63  }
0xb6: {  	_ =	swait.ge [sflag:s6], $0xA000  }
0xb7: {  	[sflag:s6] =	ssyncset.done $0x0  }
0xb8: {  	[sflag:s6] =	ssyncadd.s32 $0xFFFF6000  }
0xb9: {  	[tilespmem:s7], [sflag:$0x2] =	stream.indirect.gather [hbm4b:s3+s11], $0x20, s12, s11, $0xb8;
	[tilespmem:$0x1A400] =	vst v63  }
0xba: {  	_ =	swait.ge [sflag:s10], $0xA000  }
0xbb: {  	[sflag:s10] =	ssyncset.done $0x0  }
0xbc: {  	s0 =	rddreg [dreg:$0x16];
	[sflag:s10] =	ssyncadd.s32 $0xFFFF6000  }
0xbd: {  	[hbm4b:s0+s2] =	stream.linear.scatter [tilespmem:s8], [sflag:$0x3], $0xA000, $0x38;
	[tilespmem:$0x1A400] =	vst v63  }
0xbe: {  	_ =	swait.ge [sflag:s9], $0xA000  }
0xbf: {  	[sflag:s9] =	ssyncset.done $0x0  }
0xc0: {  	p1 =	sne.s32 s1, $0x1;
	[sflag:s9] =	ssyncadd.s32 $0xFFFF6000  }
0xc1: {  	[hbm4b:s4+s2] =	stream.linear.scatter [tilespmem:s7], [sflag:$0x4], $0xA000, $0x38;
	[tilespmem:$0x1A400] =	vst v63  }
.Ltmp1:
0xc2: {  	_ =	swait.ge [sflag:s5], $0xA000;
	(pc) =	sbr.rel @!p1 .LBB2_3-.Ltmp1, $4  }
0xc3: {  	[sflag:s5] =	ssyncset.done $0x0  }
0xc4: {  	[sflag:s5] =	ssyncadd.s32 $0xFFFF6000  }
0xc5: {  	s1 =	sadd.s32 $0xFFFFFFFF, s1;
	_ =	swait.ge [sflag:s6], $0xA000  }
0xc6: {  	p0 =	por $0x1, $0x1;
	s0 =	rddreg [dreg:$0x3];
	[sflag:s6] =	ssyncset.done $0x0  }
.LBB2_2:
0xc7: {  	[sflag:s6] =	ssyncadd.s32 $0xFFFF6000  }
0xc8: {  	[tilespmem:s2], [sflag:$0x5] =	stream.linear.gather [hbm4b:s0+s2], $0x6400, $0x38;
	[tilespmem:$0x1A400] =	vst v63  }
0xc9: {  	_ =	swait.ge [sflag:s31], $0x6400  }
0xca: {  	[sflag:s31] =	ssyncset.done $0x0  }
0xcb: {  	[sflag:s31] =	ssyncadd.s32 $0xFFFF9C00  }
0xcc: {  	[tilespmem:s8], [sflag:$0x1] =	stream.indirect.gather [hbm4b:s3+s11], $0x20, s2, s11, $0xb8;
	[tilespmem:$0x1A400] =	vst v63  }
0xcd: {  	_ = 	snop  }
0xce: {  	[tilespmem:s7], [sflag:$0x2] =	stream.indirect.gather [hbm4b:s3+s11], $0x20, s11, s11, $0xb8;
	[tilespmem:$0x1A400] =	vst v63  }
0xcf: {  	_ =	swait.ge [sflag:s10], $0xA000  }
0xd0: {  	[sflag:s10] =	ssyncset.done $0x0  }
0xd1: {  	s0 =	rddreg [dreg:$0x4];
	[sflag:s10] =	ssyncadd.s32 $0xFFFF6000  }
0xd2: {  	[hbm4b:s0+s2] =	stream.linear.scatter [tilespmem:s8], [sflag:$0x3], $0xA000, $0x38;
	[tilespmem:$0x1A400] =	vst v63  }
0xd3: {  	_ =	swait.ge [sflag:s5], $0xA000  }
0xd4: {  	[sflag:s5] =	ssyncset.done $0x0  }
0xd5: {  	[sflag:s5] =	ssyncadd.s32 $0xFFFF6000  }
0xd6: {  	[tilespmem:s8], [sflag:$0x1] =	stream.indirect.gather [hbm4b:s3+s11], $0x20, s30, s11, $0xb8;
	[tilespmem:$0x1A400] =	vst v63  }
0xd7: {  	_ =	swait.ge [sflag:s9], $0xA000  }
0xd8: {  	[sflag:s9] =	ssyncset.done $0x0  }
0xd9: {  	s0 =	rddreg [dreg:$0x5];
	[sflag:s9] =	ssyncadd.s32 $0xFFFF6000  }
0xda: {  	[hbm4b:s0+s2] =	stream.linear.scatter [tilespmem:s7], [sflag:$0x4], $0xA000, $0x38;
	[tilespmem:$0x1A400] =	vst v63  }
0xdb: {  	_ =	swait.ge [sflag:s6], $0xA000  }
0xdc: {  	[sflag:s6] =	ssyncset.done $0x0  }
0xdd: {  	[sflag:s6] =	ssyncadd.s32 $0xFFFF6000  }
0xde: {  	[tilespmem:s7], [sflag:$0x2] =	stream.indirect.gather [hbm4b:s3+s11], $0x20, s29, s11, $0xb8;
	[tilespmem:$0x1A400] =	vst v63  }
0xdf: {  	_ =	swait.ge [sflag:s10], $0xA000  }
0xe0: {  	[sflag:s10] =	ssyncset.done $0x0  }
0xe1: {  	s0 =	rddreg [dreg:$0x6];
	[sflag:s10] =	ssyncadd.s32 $0xFFFF6000  }
0xe2: {  	[hbm4b:s0+s2] =	stream.linear.scatter [tilespmem:s8], [sflag:$0x3], $0xA000, $0x38;
	[tilespmem:$0x1A400] =	vst v63  }
0xe3: {  	_ =	swait.ge [sflag:s5], $0xA000  }
0xe4: {  	[sflag:s5] =	ssyncset.done $0x0  }
0xe5: {  	[sflag:s5] =	ssyncadd.s32 $0xFFFF6000  }
0xe6: {  	[tilespmem:s8], [sflag:$0x1] =	stream.indirect.gather [hbm4b:s3+s11], $0x20, s28, s11, $0xb8;
	[tilespmem:$0x1A400] =	vst v63  }
0xe7: {  	_ =	swait.ge [sflag:s9], $0xA000  }
0xe8: {  	[sflag:s9] =	ssyncset.done $0x0  }
0xe9: {  	s0 =	rddreg [dreg:$0x7];
	[sflag:s9] =	ssyncadd.s32 $0xFFFF6000  }
0xea: {  	[hbm4b:s0+s2] =	stream.linear.scatter [tilespmem:s7], [sflag:$0x4], $0xA000, $0x38;
	[tilespmem:$0x1A400] =	vst v63  }
0xeb: {  	_ =	swait.ge [sflag:s6], $0xA000  }
0xec: {  	[sflag:s6] =	ssyncset.done $0x0  }
0xed: {  	[sflag:s6] =	ssyncadd.s32 $0xFFFF6000  }
0xee: {  	[tilespmem:s7], [sflag:$0x2] =	stream.indirect.gather [hbm4b:s3+s11], $0x20, s26, s11, $0xb8;
	[tilespmem:$0x1A400] =	vst v63  }
0xef: {  	_ =	swait.ge [sflag:s10], $0xA000  }
0xf0: {  	[sflag:s10] =	ssyncset.done $0x0  }
0xf1: {  	s0 =	rddreg [dreg:$0x8];
	[sflag:s10] =	ssyncadd.s32 $0xFFFF6000  }
0xf2: {  	[hbm4b:s0+s2] =	stream.linear.scatter [tilespmem:s8], [sflag:$0x3], $0xA000, $0x38;
	[tilespmem:$0x1A400] =	vst v63  }
0xf3: {  	_ =	swait.ge [sflag:s5], $0xA000  }
0xf4: {  	[sflag:s5] =	ssyncset.done $0x0  }
0xf5: {  	[sflag:s5] =	ssyncadd.s32 $0xFFFF6000  }
0xf6: {  	[tilespmem:s8], [sflag:$0x1] =	stream.indirect.gather [hbm4b:s3+s11], $0x20, s25, s11, $0xb8;
	[tilespmem:$0x1A400] =	vst v63  }
0xf7: {  	_ =	swait.ge [sflag:s9], $0xA000  }
0xf8: {  	[sflag:s9] =	ssyncset.done $0x0  }
0xf9: {  	s0 =	rddreg [dreg:$0x9];
	[sflag:s9] =	ssyncadd.s32 $0xFFFF6000  }
0xfa: {  	[hbm4b:s0+s2] =	stream.linear.scatter [tilespmem:s7], [sflag:$0x4], $0xA000, $0x38;
	[tilespmem:$0x1A400] =	vst v63  }
0xfb: {  	_ =	swait.ge [sflag:s6], $0xA000  }
0xfc: {  	[sflag:s6] =	ssyncset.done $0x0  }
0xfd: {  	[sflag:s6] =	ssyncadd.s32 $0xFFFF6000  }
0xfe: {  	[tilespmem:s7], [sflag:$0x2] =	stream.indirect.gather [hbm4b:s3+s11], $0x20, s24, s11, $0xb8;
	[tilespmem:$0x1A400] =	vst v63  }
0xff: {  	_ =	swait.ge [sflag:s10], $0xA000  }
0x100: {  	[sflag:s10] =	ssyncset.done $0x0  }
0x101: {  	s0 =	rddreg [dreg:$0xa];
	[sflag:s10] =	ssyncadd.s32 $0xFFFF6000  }
0x102: {  	[hbm4b:s0+s2] =	stream.linear.scatter [tilespmem:s8], [sflag:$0x3], $0xA000, $0x38;
	[tilespmem:$0x1A400] =	vst v63  }
0x103: {  	_ =	swait.ge [sflag:s5], $0xA000  }
0x104: {  	[sflag:s5] =	ssyncset.done $0x0  }
0x105: {  	[sflag:s5] =	ssyncadd.s32 $0xFFFF6000  }
0x106: {  	[tilespmem:s8], [sflag:$0x1] =	stream.indirect.gather [hbm4b:s3+s11], $0x20, s23, s11, $0xb8;
	[tilespmem:$0x1A400] =	vst v63  }
0x107: {  	_ =	swait.ge [sflag:s9], $0xA000  }
0x108: {  	[sflag:s9] =	ssyncset.done $0x0  }
0x109: {  	s0 =	rddreg [dreg:$0xb];
	[sflag:s9] =	ssyncadd.s32 $0xFFFF6000  }
0x10a: {  	[hbm4b:s0+s2] =	stream.linear.scatter [tilespmem:s7], [sflag:$0x4], $0xA000, $0x38;
	[tilespmem:$0x1A400] =	vst v63  }
0x10b: {  	_ =	swait.ge [sflag:s6], $0xA000  }
0x10c: {  	[sflag:s6] =	ssyncset.done $0x0  }
0x10d: {  	[sflag:s6] =	ssyncadd.s32 $0xFFFF6000  }
0x10e: {  	[tilespmem:s7], [sflag:$0x2] =	stream.indirect.gather [hbm4b:s3+s11], $0x20, s22, s11, $0xb8;
	[tilespmem:$0x1A400] =	vst v63  }
0x10f: {  	_ =	swait.ge [sflag:s10], $0xA000  }
0x110: {  	[sflag:s10] =	ssyncset.done $0x0  }
0x111: {  	s0 =	rddreg [dreg:$0xc];
	[sflag:s10] =	ssyncadd.s32 $0xFFFF6000  }
0x112: {  	[hbm4b:s0+s2] =	stream.linear.scatter [tilespmem:s8], [sflag:$0x3], $0xA000, $0x38;
	[tilespmem:$0x1A400] =	vst v63  }
0x113: {  	_ =	swait.ge [sflag:s5], $0xA000  }
0x114: {  	[sflag:s5] =	ssyncset.done $0x0  }
0x115: {  	[sflag:s5] =	ssyncadd.s32 $0xFFFF6000  }
0x116: {  	[tilespmem:s8], [sflag:$0x1] =	stream.indirect.gather [hbm4b:s3+s11], $0x20, s21, s11, $0xb8;
	[tilespmem:$0x1A400] =	vst v63  }
0x117: {  	_ =	swait.ge [sflag:s9], $0xA000  }
0x118: {  	[sflag:s9] =	ssyncset.done $0x0  }
0x119: {  	s0 =	rddreg [dreg:$0xd];
	[sflag:s9] =	ssyncadd.s32 $0xFFFF6000  }
0x11a: {  	[hbm4b:s0+s2] =	stream.linear.scatter [tilespmem:s7], [sflag:$0x4], $0xA000, $0x38;
	[tilespmem:$0x1A400] =	vst v63  }
0x11b: {  	_ =	swait.ge [sflag:s6], $0xA000  }
0x11c: {  	[sflag:s6] =	ssyncset.done $0x0  }
0x11d: {  	[sflag:s6] =	ssyncadd.s32 $0xFFFF6000  }
0x11e: {  	[tilespmem:s7], [sflag:$0x2] =	stream.indirect.gather [hbm4b:s3+s11], $0x20, s20, s11, $0xb8;
	[tilespmem:$0x1A400] =	vst v63  }
0x11f: {  	_ =	swait.ge [sflag:s10], $0xA000  }
0x120: {  	[sflag:s10] =	ssyncset.done $0x0  }
0x121: {  	s0 =	rddreg [dreg:$0xe];
	[sflag:s10] =	ssyncadd.s32 $0xFFFF6000  }
0x122: {  	[hbm4b:s0+s2] =	stream.linear.scatter [tilespmem:s8], [sflag:$0x3], $0xA000, $0x38;
	[tilespmem:$0x1A400] =	vst v63  }
0x123: {  	_ =	swait.ge [sflag:s5], $0xA000  }
0x124: {  	[sflag:s5] =	ssyncset.done $0x0  }
0x125: {  	[sflag:s5] =	ssyncadd.s32 $0xFFFF6000  }
0x126: {  	[tilespmem:s8], [sflag:$0x1] =	stream.indirect.gather [hbm4b:s3+s11], $0x20, s19, s11, $0xb8;
	[tilespmem:$0x1A400] =	vst v63  }
0x127: {  	_ =	swait.ge [sflag:s9], $0xA000  }
0x128: {  	[sflag:s9] =	ssyncset.done $0x0  }
0x129: {  	s0 =	rddreg [dreg:$0xf];
	[sflag:s9] =	ssyncadd.s32 $0xFFFF6000  }
0x12a: {  	[hbm4b:s0+s2] =	stream.linear.scatter [tilespmem:s7], [sflag:$0x4], $0xA000, $0x38;
	[tilespmem:$0x1A400] =	vst v63  }
0x12b: {  	_ =	swait.ge [sflag:s6], $0xA000  }
0x12c: {  	[sflag:s6] =	ssyncset.done $0x0  }
0x12d: {  	[sflag:s6] =	ssyncadd.s32 $0xFFFF6000  }
0x12e: {  	[tilespmem:s7], [sflag:$0x2] =	stream.indirect.gather [hbm4b:s3+s11], $0x20, s18, s11, $0xb8;
	[tilespmem:$0x1A400] =	vst v63  }
0x12f: {  	_ =	swait.ge [sflag:s10], $0xA000  }
0x130: {  	[sflag:s10] =	ssyncset.done $0x0  }
0x131: {  	s0 =	rddreg [dreg:$0x10];
	[sflag:s10] =	ssyncadd.s32 $0xFFFF6000  }
0x132: {  	[hbm4b:s0+s2] =	stream.linear.scatter [tilespmem:s8], [sflag:$0x3], $0xA000, $0x38;
	[tilespmem:$0x1A400] =	vst v63  }
0x133: {  	_ =	swait.ge [sflag:s5], $0xA000  }
0x134: {  	[sflag:s5] =	ssyncset.done $0x0  }
0x135: {  	[sflag:s5] =	ssyncadd.s32 $0xFFFF6000  }
0x136: {  	[tilespmem:s8], [sflag:$0x1] =	stream.indirect.gather [hbm4b:s3+s11], $0x20, s17, s11, $0xb8;
	[tilespmem:$0x1A400] =	vst v63  }
0x137: {  	_ =	swait.ge [sflag:s9], $0xA000  }
0x138: {  	[sflag:s9] =	ssyncset.done $0x0  }
0x139: {  	s0 =	rddreg [dreg:$0x11];
	[sflag:s9] =	ssyncadd.s32 $0xFFFF6000  }
0x13a: {  	[hbm4b:s0+s2] =	stream.linear.scatter [tilespmem:s7], [sflag:$0x4], $0xA000, $0x38;
	[tilespmem:$0x1A400] =	vst v63  }
0x13b: {  	_ =	swait.ge [sflag:s6], $0xA000  }
0x13c: {  	[sflag:s6] =	ssyncset.done $0x0  }
0x13d: {  	[sflag:s6] =	ssyncadd.s32 $0xFFFF6000  }
0x13e: {  	[tilespmem:s7], [sflag:$0x2] =	stream.indirect.gather [hbm4b:s3+s11], $0x20, s16, s11, $0xb8;
	[tilespmem:$0x1A400] =	vst v63  }
0x13f: {  	_ =	swait.ge [sflag:s10], $0xA000  }
0x140: {  	[sflag:s10] =	ssyncset.done $0x0  }
0x141: {  	s0 =	rddreg [dreg:$0x12];
	[sflag:s10] =	ssyncadd.s32 $0xFFFF6000  }
0x142: {  	[hbm4b:s0+s2] =	stream.linear.scatter [tilespmem:s8], [sflag:$0x3], $0xA000, $0x38;
	[tilespmem:$0x1A400] =	vst v63  }
0x143: {  	_ =	swait.ge [sflag:s5], $0xA000  }
0x144: {  	[sflag:s5] =	ssyncset.done $0x0  }
0x145: {  	[sflag:s5] =	ssyncadd.s32 $0xFFFF6000  }
0x146: {  	[tilespmem:s8], [sflag:$0x1] =	stream.indirect.gather [hbm4b:s3+s11], $0x20, s15, s11, $0xb8;
	[tilespmem:$0x1A400] =	vst v63  }
0x147: {  	_ =	swait.ge [sflag:s9], $0xA000  }
0x148: {  	[sflag:s9] =	ssyncset.done $0x0  }
0x149: {  	s0 =	rddreg [dreg:$0x13];
	[sflag:s9] =	ssyncadd.s32 $0xFFFF6000  }
0x14a: {  	[hbm4b:s0+s2] =	stream.linear.scatter [tilespmem:s7], [sflag:$0x4], $0xA000, $0x38;
	[tilespmem:$0x1A400] =	vst v63  }
0x14b: {  	_ =	swait.ge [sflag:s6], $0xA000  }
0x14c: {  	[sflag:s6] =	ssyncset.done $0x0  }
0x14d: {  	[sflag:s6] =	ssyncadd.s32 $0xFFFF6000  }
0x14e: {  	[tilespmem:s7], [sflag:$0x2] =	stream.indirect.gather [hbm4b:s3+s11], $0x20, s14, s11, $0xb8;
	[tilespmem:$0x1A400] =	vst v63  }
0x14f: {  	_ =	swait.ge [sflag:s10], $0xA000  }
0x150: {  	[sflag:s10] =	ssyncset.done $0x0  }
0x151: {  	s0 =	rddreg [dreg:$0x14];
	[sflag:s10] =	ssyncadd.s32 $0xFFFF6000  }
0x152: {  	[hbm4b:s0+s2] =	stream.linear.scatter [tilespmem:s8], [sflag:$0x3], $0xA000, $0x38;
	[tilespmem:$0x1A400] =	vst v63  }
0x153: {  	_ =	swait.ge [sflag:s5], $0xA000  }
0x154: {  	[sflag:s5] =	ssyncset.done $0x0  }
0x155: {  	[sflag:s5] =	ssyncadd.s32 $0xFFFF6000  }
0x156: {  	[tilespmem:s8], [sflag:$0x1] =	stream.indirect.gather [hbm4b:s3+s11], $0x20, s13, s11, $0xb8;
	[tilespmem:$0x1A400] =	vst v63  }
0x157: {  	_ =	swait.ge [sflag:s9], $0xA000  }
0x158: {  	[sflag:s9] =	ssyncset.done $0x0  }
0x159: {  	s0 =	rddreg [dreg:$0x15];
	[sflag:s9] =	ssyncadd.s32 $0xFFFF6000  }
0x15a: {  	[hbm4b:s0+s2] =	stream.linear.scatter [tilespmem:s7], [sflag:$0x4], $0xA000, $0x38;
	[tilespmem:$0x1A400] =	vst v63  }
0x15b: {  	_ =	swait.ge [sflag:s6], $0xA000  }
0x15c: {  	[sflag:s6] =	ssyncset.done $0x0  }
0x15d: {  	[sflag:s6] =	ssyncadd.s32 $0xFFFF6000  }
0x15e: {  	[tilespmem:s7], [sflag:$0x2] =	stream.indirect.gather [hbm4b:s3+s11], $0x20, s12, s11, $0xb8;
	[tilespmem:$0x1A400] =	vst v63  }
0x15f: {  	_ =	swait.ge [sflag:s10], $0xA000  }
0x160: {  	[sflag:s10] =	ssyncset.done $0x0  }
0x161: {  	s0 =	rddreg [dreg:$0x16];
	[sflag:s10] =	ssyncadd.s32 $0xFFFF6000  }
0x162: {  	[hbm4b:s0+s2] =	stream.linear.scatter [tilespmem:s8], [sflag:$0x3], $0xA000, $0x38;
	[tilespmem:$0x1A400] =	vst v63  }
0x163: {  	_ =	swait.ge [sflag:s9], $0xA000  }
0x164: {  	[sflag:s9] =	ssyncset.done $0x0  }
0x165: {  	p1 =	sne.s32 s1, $0x1;
	[sflag:s9] =	ssyncadd.s32 $0xFFFF6000  }
0x166: {  	[hbm4b:s4+s2] =	stream.linear.scatter [tilespmem:s7], [sflag:$0x4], $0xA000, $0x38;
	[tilespmem:$0x1A400] =	vst v63  }
.Ltmp2:
0x167: {  	_ =	swait.ge [sflag:s5], $0xA000;
	(pc) =	sbr.rel @p1 .LBB2_2-.Ltmp2, $4  }
0x168: {  	[sflag:s5] =	ssyncset.done $0x0  }
0x169: {  	[sflag:s5] =	ssyncadd.s32 $0xFFFF6000  }
0x16a: {  	_ =	swait.ge [sflag:s6], $0xA000  }
0x16b: {  	s1 =	sadd.s32 $0xFFFFFFFF, s1;
	s0 =	rddreg [dreg:$0x3];
	[sflag:s6] =	ssyncset.done $0x0  }
.LBB2_3:
0x16c: {  	[sflag:s6] =	ssyncadd.s32 @p0 $0xFFFF6000  }
0x16d: {  	[tilespmem:s2], [sflag:$0x5] =	stream.linear.gather [hbm4b:s0+s2], $0x6400, $0x38;
	[tilespmem:$0x1A400] =	vst v63  }
0x16e: {  	_ =	swait.ge [sflag:s31], $0x6400  }
0x16f: {  	[sflag:s31] =	ssyncset.done $0x0  }
0x170: {  	[sflag:s31] =	ssyncadd.s32 $0xFFFF9C00  }
0x171: {  	[tilespmem:s8], [sflag:$0x1] =	stream.indirect.gather [hbm4b:s3+s11], $0x20, s2, s11, $0xb8;
	[tilespmem:$0x1A400] =	vst v63  }
0x172: {  	_ = 	snop  }
0x173: {  	[tilespmem:s7], [sflag:$0x2] =	stream.indirect.gather [hbm4b:s3+s11], $0x20, s11, s11, $0xb8;
	[tilespmem:$0x1A400] =	vst v63  }
0x174: {  	_ =	swait.ge [sflag:s10], $0xA000  }
0x175: {  	[sflag:s10] =	ssyncset.done $0x0  }
0x176: {  	s1 =	rddreg [dreg:$0x4];
	[sflag:s10] =	ssyncadd.s32 $0xFFFF6000  }
0x177: {  	[hbm4b:s1+s2] =	stream.linear.scatter [tilespmem:s8], [sflag:$0x3], $0xA000, $0x38;
	[tilespmem:$0x1A400] =	vst v63  }
0x178: {  	_ =	swait.ge [sflag:s5], $0xA000  }
0x179: {  	[sflag:s5] =	ssyncset.done $0x0  }
0x17a: {  	[sflag:s5] =	ssyncadd.s32 $0xFFFF6000  }
0x17b: {  	[tilespmem:s8], [sflag:$0x1] =	stream.indirect.gather [hbm4b:s3+s11], $0x20, s30, s11, $0xb8;
	[tilespmem:$0x1A400] =	vst v63  }
0x17c: {  	_ =	swait.ge [sflag:s9], $0xA000  }
0x17d: {  	[sflag:s9] =	ssyncset.done $0x0  }
0x17e: {  	s30 =	rddreg [dreg:$0x5];
	[sflag:s9] =	ssyncadd.s32 $0xFFFF6000  }
0x17f: {  	[hbm4b:s30+s2] =	stream.linear.scatter [tilespmem:s7], [sflag:$0x4], $0xA000, $0x38;
	[tilespmem:$0x1A400] =	vst v63  }
0x180: {  	_ =	swait.ge [sflag:s6], $0xA000  }
0x181: {  	[sflag:s6] =	ssyncset.done $0x0  }
0x182: {  	[sflag:s6] =	ssyncadd.s32 $0xFFFF6000  }
0x183: {  	[tilespmem:s7], [sflag:$0x2] =	stream.indirect.gather [hbm4b:s3+s11], $0x20, s29, s11, $0xb8;
	[tilespmem:$0x1A400] =	vst v63  }
0x184: {  	_ =	swait.ge [sflag:s10], $0xA000  }
0x185: {  	[sflag:s10] =	ssyncset.done $0x0  }
0x186: {  	s31 =	rddreg [dreg:$0x6];
	[sflag:s10] =	ssyncadd.s32 $0xFFFF6000  }
0x187: {  	[hbm4b:s31+s2] =	stream.linear.scatter [tilespmem:s8], [sflag:$0x3], $0xA000, $0x38;
	[tilespmem:$0x1A400] =	vst v63  }
0x188: {  	_ =	swait.ge [sflag:s5], $0xA000  }
0x189: {  	[sflag:s5] =	ssyncset.done $0x0  }
0x18a: {  	[sflag:s5] =	ssyncadd.s32 $0xFFFF6000  }
0x18b: {  	[tilespmem:s8], [sflag:$0x1] =	stream.indirect.gather [hbm4b:s3+s11], $0x20, s28, s11, $0xb8;
	[tilespmem:$0x1A400] =	vst v63  }
0x18c: {  	_ =	swait.ge [sflag:s9], $0xA000  }
0x18d: {  	[sflag:s9] =	ssyncset.done $0x0  }
0x18e: {  	s1 =	rddreg [dreg:$0x7];
	[sflag:s9] =	ssyncadd.s32 $0xFFFF6000  }
0x18f: {  	[hbm4b:s1+s2] =	stream.linear.scatter [tilespmem:s7], [sflag:$0x4], $0xA000, $0x38;
	[tilespmem:$0x1A400] =	vst v63  }
0x190: {  	_ =	swait.ge [sflag:s6], $0xA000  }
0x191: {  	[sflag:s6] =	ssyncset.done $0x0  }
0x192: {  	[sflag:s6] =	ssyncadd.s32 $0xFFFF6000  }
0x193: {  	[tilespmem:s7], [sflag:$0x2] =	stream.indirect.gather [hbm4b:s3+s11], $0x20, s26, s11, $0xb8;
	[tilespmem:$0x1A400] =	vst v63  }
0x194: {  	_ =	swait.ge [sflag:s10], $0xA000  }
0x195: {  	[sflag:s10] =	ssyncset.done $0x0  }
0x196: {  	s26 =	rddreg [dreg:$0x8];
	[sflag:s10] =	ssyncadd.s32 $0xFFFF6000  }
0x197: {  	[hbm4b:s26+s2] =	stream.linear.scatter [tilespmem:s8], [sflag:$0x3], $0xA000, $0x38;
	[tilespmem:$0x1A400] =	vst v63  }
0x198: {  	_ =	swait.ge [sflag:s5], $0xA000  }
0x199: {  	[sflag:s5] =	ssyncset.done $0x0  }
0x19a: {  	[sflag:s5] =	ssyncadd.s32 $0xFFFF6000  }
0x19b: {  	[tilespmem:s8], [sflag:$0x1] =	stream.indirect.gather [hbm4b:s3+s11], $0x20, s25, s11, $0xb8;
	[tilespmem:$0x1A400] =	vst v63  }
0x19c: {  	_ =	swait.ge [sflag:s9], $0xA000  }
0x19d: {  	[sflag:s9] =	ssyncset.done $0x0  }
0x19e: {  	s28 =	rddreg [dreg:$0x9];
	[sflag:s9] =	ssyncadd.s32 $0xFFFF6000  }
0x19f: {  	[hbm4b:s28+s2] =	stream.linear.scatter [tilespmem:s7], [sflag:$0x4], $0xA000, $0x38;
	[tilespmem:$0x1A400] =	vst v63  }
0x1a0: {  	_ =	swait.ge [sflag:s6], $0xA000  }
0x1a1: {  	[sflag:s6] =	ssyncset.done $0x0  }
0x1a2: {  	[sflag:s6] =	ssyncadd.s32 $0xFFFF6000  }
0x1a3: {  	[tilespmem:s7], [sflag:$0x2] =	stream.indirect.gather [hbm4b:s3+s11], $0x20, s24, s11, $0xb8;
	[tilespmem:$0x1A400] =	vst v63  }
0x1a4: {  	_ =	swait.ge [sflag:s10], $0xA000  }
0x1a5: {  	[sflag:s10] =	ssyncset.done $0x0  }
0x1a6: {  	s29 =	rddreg [dreg:$0xa];
	[sflag:s10] =	ssyncadd.s32 $0xFFFF6000  }
0x1a7: {  	[hbm4b:s29+s2] =	stream.linear.scatter [tilespmem:s8], [sflag:$0x3], $0xA000, $0x38;
	[tilespmem:$0x1A400] =	vst v63  }
0x1a8: {  	_ =	swait.ge [sflag:s5], $0xA000  }
0x1a9: {  	[sflag:s5] =	ssyncset.done $0x0  }
0x1aa: {  	[sflag:s5] =	ssyncadd.s32 $0xFFFF6000  }
0x1ab: {  	[tilespmem:s8], [sflag:$0x1] =	stream.indirect.gather [hbm4b:s3+s11], $0x20, s23, s11, $0xb8;
	[tilespmem:$0x1A400] =	vst v63  }
0x1ac: {  	_ =	swait.ge [sflag:s9], $0xA000  }
0x1ad: {  	[sflag:s9] =	ssyncset.done $0x0  }
0x1ae: {  	s30 =	rddreg [dreg:$0xb];
	[sflag:s9] =	ssyncadd.s32 $0xFFFF6000  }
0x1af: {  	[hbm4b:s30+s2] =	stream.linear.scatter [tilespmem:s7], [sflag:$0x4], $0xA000, $0x38;
	[tilespmem:$0x1A400] =	vst v63  }
0x1b0: {  	_ =	swait.ge [sflag:s6], $0xA000  }
0x1b1: {  	[sflag:s6] =	ssyncset.done $0x0  }
0x1b2: {  	[sflag:s6] =	ssyncadd.s32 $0xFFFF6000  }
0x1b3: {  	[tilespmem:s7], [sflag:$0x2] =	stream.indirect.gather [hbm4b:s3+s11], $0x20, s22, s11, $0xb8;
	[tilespmem:$0x1A400] =	vst v63  }
0x1b4: {  	_ =	swait.ge [sflag:s10], $0xA000  }
0x1b5: {  	[sflag:s10] =	ssyncset.done $0x0  }
0x1b6: {  	s31 =	rddreg [dreg:$0xc];
	[sflag:s10] =	ssyncadd.s32 $0xFFFF6000  }
0x1b7: {  	[hbm4b:s31+s2] =	stream.linear.scatter [tilespmem:s8], [sflag:$0x3], $0xA000, $0x38;
	[tilespmem:$0x1A400] =	vst v63  }
0x1b8: {  	_ =	swait.ge [sflag:s5], $0xA000  }
0x1b9: {  	[sflag:s5] =	ssyncset.done $0x0  }
0x1ba: {  	[sflag:s5] =	ssyncadd.s32 $0xFFFF6000  }
0x1bb: {  	[tilespmem:s8], [sflag:$0x1] =	stream.indirect.gather [hbm4b:s3+s11], $0x20, s21, s11, $0xb8;
	[tilespmem:$0x1A400] =	vst v63  }
0x1bc: {  	_ =	swait.ge [sflag:s9], $0xA000  }
0x1bd: {  	[sflag:s9] =	ssyncset.done $0x0  }
0x1be: {  	s1 =	rddreg [dreg:$0xd];
	[sflag:s9] =	ssyncadd.s32 $0xFFFF6000  }
0x1bf: {  	[hbm4b:s1+s2] =	stream.linear.scatter [tilespmem:s7], [sflag:$0x4], $0xA000, $0x38;
	[tilespmem:$0x1A400] =	vst v63  }
0x1c0: {  	_ =	swait.ge [sflag:s6], $0xA000  }
0x1c1: {  	[sflag:s6] =	ssyncset.done $0x0  }
0x1c2: {  	[sflag:s6] =	ssyncadd.s32 $0xFFFF6000  }
0x1c3: {  	[tilespmem:s7], [sflag:$0x2] =	stream.indirect.gather [hbm4b:s3+s11], $0x20, s20, s11, $0xb8;
	[tilespmem:$0x1A400] =	vst v63  }
0x1c4: {  	_ =	swait.ge [sflag:s10], $0xA000  }
0x1c5: {  	[sflag:s10] =	ssyncset.done $0x0  }
0x1c6: {  	s21 =	rddreg [dreg:$0xe];
	[sflag:s10] =	ssyncadd.s32 $0xFFFF6000  }
0x1c7: {  	[hbm4b:s21+s2] =	stream.linear.scatter [tilespmem:s8], [sflag:$0x3], $0xA000, $0x38;
	[tilespmem:$0x1A400] =	vst v63  }
0x1c8: {  	_ =	swait.ge [sflag:s5], $0xA000  }
0x1c9: {  	[sflag:s5] =	ssyncset.done $0x0  }
0x1ca: {  	[sflag:s5] =	ssyncadd.s32 $0xFFFF6000  }
0x1cb: {  	[tilespmem:s8], [sflag:$0x1] =	stream.indirect.gather [hbm4b:s3+s11], $0x20, s19, s11, $0xb8;
	[tilespmem:$0x1A400] =	vst v63  }
0x1cc: {  	_ =	swait.ge [sflag:s9], $0xA000  }
0x1cd: {  	[sflag:s9] =	ssyncset.done $0x0  }
0x1ce: {  	s22 =	rddreg [dreg:$0xf];
	[sflag:s9] =	ssyncadd.s32 $0xFFFF6000  }
0x1cf: {  	[hbm4b:s22+s2] =	stream.linear.scatter [tilespmem:s7], [sflag:$0x4], $0xA000, $0x38;
	[tilespmem:$0x1A400] =	vst v63  }
0x1d0: {  	_ =	swait.ge [sflag:s6], $0xA000  }
0x1d1: {  	[sflag:s6] =	ssyncset.done $0x0  }
0x1d2: {  	[sflag:s6] =	ssyncadd.s32 $0xFFFF6000  }
0x1d3: {  	[tilespmem:s7], [sflag:$0x2] =	stream.indirect.gather [hbm4b:s3+s11], $0x20, s18, s11, $0xb8;
	[tilespmem:$0x1A400] =	vst v63  }
0x1d4: {  	_ =	swait.ge [sflag:s10], $0xA000  }
0x1d5: {  	[sflag:s10] =	ssyncset.done $0x0  }
0x1d6: {  	s23 =	rddreg [dreg:$0x10];
	[sflag:s10] =	ssyncadd.s32 $0xFFFF6000  }
0x1d7: {  	[hbm4b:s23+s2] =	stream.linear.scatter [tilespmem:s8], [sflag:$0x3], $0xA000, $0x38;
	[tilespmem:$0x1A400] =	vst v63  }
0x1d8: {  	_ =	swait.ge [sflag:s5], $0xA000  }
0x1d9: {  	[sflag:s5] =	ssyncset.done $0x0  }
0x1da: {  	[sflag:s5] =	ssyncadd.s32 $0xFFFF6000  }
0x1db: {  	[tilespmem:s8], [sflag:$0x1] =	stream.indirect.gather [hbm4b:s3+s11], $0x20, s17, s11, $0xb8;
	[tilespmem:$0x1A400] =	vst v63  }
0x1dc: {  	_ =	swait.ge [sflag:s9], $0xA000  }
0x1dd: {  	[sflag:s9] =	ssyncset.done $0x0  }
0x1de: {  	s24 =	rddreg [dreg:$0x11];
	[sflag:s9] =	ssyncadd.s32 $0xFFFF6000  }
0x1df: {  	[hbm4b:s24+s2] =	stream.linear.scatter [tilespmem:s7], [sflag:$0x4], $0xA000, $0x38;
	[tilespmem:$0x1A400] =	vst v63  }
0x1e0: {  	_ =	swait.ge [sflag:s6], $0xA000  }
0x1e1: {  	[sflag:s6] =	ssyncset.done $0x0  }
0x1e2: {  	[sflag:s6] =	ssyncadd.s32 $0xFFFF6000  }
0x1e3: {  	[tilespmem:s7], [sflag:$0x2] =	stream.indirect.gather [hbm4b:s3+s11], $0x20, s16, s11, $0xb8;
	[tilespmem:$0x1A400] =	vst v63  }
0x1e4: {  	_ =	swait.ge [sflag:s10], $0xA000  }
0x1e5: {  	[sflag:s10] =	ssyncset.done $0x0  }
0x1e6: {  	s25 =	rddreg [dreg:$0x12];
	[sflag:s10] =	ssyncadd.s32 $0xFFFF6000  }
0x1e7: {  	[hbm4b:s25+s2] =	stream.linear.scatter [tilespmem:s8], [sflag:$0x3], $0xA000, $0x38;
	[tilespmem:$0x1A400] =	vst v63  }
0x1e8: {  	_ =	swait.ge [sflag:s5], $0xA000  }
0x1e9: {  	[sflag:s5] =	ssyncset.done $0x0  }
0x1ea: {  	[sflag:s5] =	ssyncadd.s32 $0xFFFF6000  }
0x1eb: {  	[tilespmem:s8], [sflag:$0x1] =	stream.indirect.gather [hbm4b:s3+s11], $0x20, s15, s11, $0xb8;
	[tilespmem:$0x1A400] =	vst v63  }
0x1ec: {  	_ =	swait.ge [sflag:s9], $0xA000  }
0x1ed: {  	[sflag:s9] =	ssyncset.done $0x0  }
0x1ee: {  	s26 =	rddreg [dreg:$0x13];
	[sflag:s9] =	ssyncadd.s32 $0xFFFF6000  }
0x1ef: {  	[hbm4b:s26+s2] =	stream.linear.scatter [tilespmem:s7], [sflag:$0x4], $0xA000, $0x38;
	[tilespmem:$0x1A400] =	vst v63  }
0x1f0: {  	_ =	swait.ge [sflag:s6], $0xA000  }
0x1f1: {  	[sflag:s6] =	ssyncset.done $0x0  }
0x1f2: {  	[sflag:s6] =	ssyncadd.s32 $0xFFFF6000  }
0x1f3: {  	[tilespmem:s7], [sflag:$0x2] =	stream.indirect.gather [hbm4b:s3+s11], $0x20, s14, s11, $0xb8;
	[tilespmem:$0x1A400] =	vst v63  }
0x1f4: {  	_ =	swait.ge [sflag:s10], $0xA000  }
0x1f5: {  	[sflag:s10] =	ssyncset.done $0x0  }
0x1f6: {  	s28 =	rddreg [dreg:$0x14];
	[sflag:s10] =	ssyncadd.s32 $0xFFFF6000  }
0x1f7: {  	[hbm4b:s28+s2] =	stream.linear.scatter [tilespmem:s8], [sflag:$0x3], $0xA000, $0x38;
	[tilespmem:$0x1A400] =	vst v63  }
0x1f8: {  	_ =	swait.ge [sflag:s5], $0xA000  }
0x1f9: {  	[sflag:s5] =	ssyncset.done $0x0  }
0x1fa: {  	[sflag:s5] =	ssyncadd.s32 $0xFFFF6000  }
0x1fb: {  	[tilespmem:s8], [sflag:$0x1] =	stream.indirect.gather [hbm4b:s3+s11], $0x20, s13, s11, $0xb8;
	[tilespmem:$0x1A400] =	vst v63  }
0x1fc: {  	_ =	swait.ge [sflag:s9], $0xA000  }
0x1fd: {  	[sflag:s9] =	ssyncset.done $0x0  }
0x1fe: {  	s29 =	rddreg [dreg:$0x15];
	[sflag:s9] =	ssyncadd.s32 $0xFFFF6000  }
0x1ff: {  	[hbm4b:s29+s2] =	stream.linear.scatter [tilespmem:s7], [sflag:$0x4], $0xA000, $0x38;
	[tilespmem:$0x1A400] =	vst v63  }
0x200: {  	_ =	swait.ge [sflag:s6], $0xA000  }
0x201: {  	[sflag:s6] =	ssyncset.done $0x0  }
0x202: {  	[sflag:s6] =	ssyncadd.s32 $0xFFFF6000  }
0x203: {  	[tilespmem:s7], [sflag:$0x2] =	stream.indirect.gather [hbm4b:s3+s11], $0x20, s12, s11, $0xb8;
	[tilespmem:$0x1A400] =	vst v63  }
0x204: {  	_ =	swait.ge [sflag:s10], $0xA000  }
0x205: {  	[sflag:s10] =	ssyncset.done $0x0  }
0x206: {  	s30 =	rddreg [dreg:$0x16];
	[sflag:s10] =	ssyncadd.s32 $0xFFFF6000  }
0x207: {  	[hbm4b:s30+s2] =	stream.linear.scatter [tilespmem:s8], [sflag:$0x3], $0xA000, $0x38;
	[tilespmem:$0x1A400] =	vst v63  }
0x208: {  	_ =	swait.ge [sflag:s9], $0xA000  }
0x209: {  	[sflag:s9] =	ssyncset.done $0x0  }
0x20a: {  	[sflag:s9] =	ssyncadd.s32 $0xFFFF6000  }
0x20b: {  	[hbm4b:s4+s2] =	stream.linear.scatter [tilespmem:s7], [sflag:$0x4], $0xA000, $0x38;
	[tilespmem:$0x1A400] =	vst v63  }
0x20c: {  	_ =	swait.ge [sflag:s5], $0xA000  }
0x20d: {  	[sflag:s5] =	ssyncset.done $0x0  }
0x20e: {  	[sflag:s5] =	ssyncadd.s32 $0xFFFF6000  }
0x20f: {  	_ =	swait.ge [sflag:s6], $0xA000  }
0x210: {  	[sflag:s6] =	ssyncset.done $0x0  }
0x211: {  	[sflag:s6] =	ssyncadd.s32 $0xFFFF6000  }
0x212: {  	_ =	sfence.sel $0x180000  }
0x213: {  	[bflag:$0x0] =	sbarrier.arrive $0xFFFF  }
0x214: {  	_ =	strace $0x90000047  }
0x215: {  	s31 =	stileid.u32;
	[bflag:$0x2] =	sbarrier.arrive $0xFFFF  }
0x216: {  	p0 =	sne.s32 s31, $0x0;
	s0 =	rddreg [dreg:$0x2]  }
0x217: {  	s0 =	sadd.s32 @!p0 $0x100000, s0  }
0x218: {  	[sflag:s0] =	ssyncadd.tile.s32 @!p0 $0x1;
	_ =	shalt  }
.Lfunc_end2:
_tile_overlayer_lowered:
.L_overlay_start_2:
0x219: {  	(tag) =	ssettag $0x2  }
0x21a: {  	s0 =	rddreg [dreg:$0x0];
	s2 =	stileid.u32  }
0x21b: {  	s1 =	rddreg [dreg:$0x1];
	p0 =	sne.s32 s2, $0x0  }
0x21c: {  	s3 =	rddreg [dreg:$0x2];
	[bflag:$0x3] =	sbarrier.arrive $0xFFFF;
	s2 =	simm.s32 @!p0 $0x1C05  }
0x21d: {  	[timem:s3], [sflag:s2] =	dma.local @!p0 [hbm:s0], s1  }
0x21e: {  	s0 =	simm.s32 @!p0 $0x5  }
0x21f: {  	_ =	swait.ge @!p0 [sflag:s0], s1  }
0x220: {  	s1 =	ssub.s32 @!p0 $0x0, s1;
	[sflag:s0] =	ssyncset.done @!p0 $0x0  }
0x221: {  	[sflag:s0] =	ssyncadd.s32 @!p0 s1  }
0x222: {  	[bflag:$0x3] =	sbarrier.arrive $0xFFFF  }
0x223: {  	_ =	shalt  }

// kernel: sparse-core-data-format-call.1.cloned.1.call-start
scs
called_computation.1_lowered:
.L_overlay_start_0:
0x0: {  	s2 =	sld [smem:$0x3FD9]  }
0x1: {  	s3 =	sld [smem:$0x3FFE];
	_ =	sdelay $0x1  }
0x2: {  	s1 =	srdreg.scid  }
0x3: {  	s0 =	sand.u32 $0x1, s1  }
0x4: {  	s18 =	sshll.u32 s0, $0xA;
	s2 =	sadd.s32 s3, s2  }
0x5: {  	s2 =	sadd.s32 s2, s18  }
0x6: {  	[smem:$0x3FC6] =	sst s2  }
0x7: {  	_ = 	snop  }
0x8: {  	s2 =	sld [smem:$0x3FD0];
	(tm) =	ssettm $0x1  }
0x9: {  	s19 =	sld [smem:$0x3FFB];
	_ =	sdelay $0x3  }
0xa: {  	_ =	strace s19  }
0xb: {  	s3 =	sld [smem:$0x3FFC];
	_ =	sdelay $0x3  }
0xc: {  	_ =	strace s3  }
0xd: {  	s3 =	sld [smem:$0x3FFD];
	_ =	sdelay $0x3  }
0xe: {  	_ =	strace s3  }
0xf: {  	_ =	strace $0x8FFFFFFF  }
0x10: {  	s20 =	sld [smem:$0x3FDB];
	_ =	sdelay $0x1  }
0x11: {  	s4 =	simm.s32 $_scs_section_size  }
0x12: {  	s5 =	simm.s32 $_size__tile_overlayer_lowered;
	s6 =	simm.s32 $_tile_overlayer_lowered  }
0x13: {  	s23 =	simm.s32 $0x1BFF;
	s22 =	sshll.u32 s6, $0x1;
	s3 =	sadd.s32 s4, s20  }
0x14: {  	s7 =	simm.s32 $0x0;
	s21 =	sshll.u32 s5, $0x1;
	s5 =	sadd.s32 s22, s3  }
0x15: {  	[timem:s7], [sflag:s23] =	dma.local [hbm:s5], s21  }
0x16: {  	_ =	swait.ge [sflag:s23], s21  }
0x17: {  	s4 =	ssub.s32 $0x0, s21;
	[sflag:s23] =	ssyncset.done $0x0  }
0x18: {  	[sflag:s23] =	ssyncadd.s32 s4;
	_ =	sdelay $0x1  }
0x19: {  	s24 =	simm.s32 $0x1B8B  }
0x1a: {  	_ =	swait.ge [sflag:s24], $0x1  }
0x1b: {  	[sflag:s24] =	ssyncset.done $0x0  }
0x1c: {  	s26 =	simm.s32 $0x1B8E;
	s25 =	sld [smem:$0x3FFE];
	[sflag:s24] =	ssyncadd.s32 $0xFFFFFFFF  }
0x1d: {  	s27 =	simm.s32 $execute0_lowered;
	[smem:$0x3FD2] =	sst s26  }
0x1e: {  	s5 =	sshll.u32 s27, $0x1;
	_ =	strace $0x80000049;
	[dreg:$0x1] =	wrdreg $0xFFFFFFFF  }
0x1f: {  	s28 =	simm.s32 $_size_execute0_lowered;
	s3 =	sadd.s32 s3, s5;
	[dreg:$0x0] =	wrdreg $0x0  }
0x20: {  	s5 =	sshll.u32 s28, $0x1;
	[dreg:$0x2] =	wrdreg s3  }
0x21: {  	[dreg:$0x3] =	wrdreg s5  }
0x22: {  	[dreg:$0x4] =	wrdreg $0xC0  }
0x23: {  	_ =	task [dreg:s7], $0x5FFFF  }
0x24: {  	[dreg:$0x1] =	wrdreg $0xFFFFFFFF  }
0x25: {  	[dreg:$0x0] =	wrdreg $0x60  }
0x26: {  	[dreg:$0x2] =	wrdreg s25  }
0x27: {  	[dreg:$0x3] =	wrdreg s2  }
0x28: {  	[dreg:$0x4] =	wrdreg $0x9  }
0x29: {  	_ =	task.clear_ibuf [dreg:s7], $0x5FFFF;
	_ =	strace $0x90000049  }
0x2a: {  	s29 =	simm.s32 $0x9;
	_ =	strace $0x8000004B  }
0x2b: {  	_ =	swait.ge [sflag:s29], $0x1  }
0x2c: {  	[sflag:s29] =	ssyncadd.s32 $0xFFFFFFFF  }
0x2d: {  	_ =	strace $0x9000004B  }
0x2e: {  	_ =	sfence  }
0x2f: {  	s30 =	sld [smem:$0x0];
	_ =	sdelay $0x2  }
0x30: {  	s31 =	sshll.u32 s1, $0xD;
	s1 =	sshrl.u32 s1, $0x2  }
0x31: {  	s3 =	sand.u32 $0x4000, s31;
	s1 =	sadd.s32 s1, s30  }
0x32: {  	s0 =	sor.u32 s3, s0;
	s1 =	sshll.u32 s1, $0x11  }
0x33: {  	s0 =	sor.u32 s1, s0  }
0x34: {  	s0 =	sadd.s32 $0x8F2B, s0  }
0x35: {  	[sflag:s0] =	ssyncadd.remote.s32 $0x1  }
0x36: {  	_ =	sfence.sel $0xFFFF  }
0x37: {  	[dreg:$0x0] =	wrdreg $0xFFFFFFFF;
	(pc) =	sbr.abs _section_cstart, $3  }
0x38: {  	[dreg:$0x1] =	wrdreg $0xFFFFFFFF  }
0x39: {  	_ =	task.clear_ibuf [dreg:s7], $0x2FFFF;
	_ =	strace $0x9FFFFFFF  }
0x3a: {  	(tm) =	ssettm $0x7FFFFFFF  }
0x3b: {  	_ =	shalt  }
tec
execute0_lowered:
.L_overlay_start_1:
0x0: {  	(tag) =	ssettag $0x1  }
0x1: {  	s0 =	srdreg.scid  }
0x2: {  	s1 =	sshll.u32 s0, $0x4  }
0x3: {  	s9 =	rddreg [dreg:$0x0];
	s0 =	stileid.u32;
	s1 =	sand.u32 $0x10, s1  }
0x4: {  	s3 =	rddreg [dreg:$0x1];
	s5 =	simm.s32 $0x1;
	s1 =	sor.u32 s0, s1  }
0x5: {  	s7 =	simm.s32 $0x2;
	s15 =	simm.s32 $0x0;
	s2 =	sshll.u32 s1, $0x2  }
0x6: {  	s11 =	simm.s32 $0xC8000;
	s16 =	simm.s32 $0x0;
	s4 =	ssub.s32 $0x280, s2  }
0x7: {  	s12 =	simm.s32 $0x0;
	s14 =	simm.s32 $0x0;
	s31 =	sand.u32 $0x7C, s4  }
0x8: {  	s8 =	sadd.s32 $0xAE00, s9;
	s1 =	rddreg [dreg:$0x2];
	p0 =	sne.s32 s31, $0x0  }
.Ltmp0:
0x9: {  	s6 =	sshrl.u32 s4, $0x7;
	s5 =	simm.s32 @!p0 $0x0;
	(pc) =	sbr.rel .LBB1_1-.Ltmp0, $4  }
0xa: {  	_ =	strace $0x8000004A;
	s4 =	simm.s32 $0x1;
	s5 =	sadd.s32 s5, s6  }
0xb: {  	s13 =	smov.u32 s2;
	[sflag:s4] =	ssyncpa.u1 $0x0;
	s5 =	smul.u32 $0xA, s5  }
0xc: {  	[sflag:s7] =	ssyncpa.u1 $0x0;
	s7 =	sadd.s32 $0x5E00, s9;
	p0 =	por $0x0, $0x0  }
0xd: {  	s6 =	sadd.s32 $0xE00, s9;
	s9 =	sadd.s32 $0xFE00, s9;
	s10 =	sor.u32 $0x1, s5  }
.LBB1_7:
0xe: {  	s17 =	sadd.s32 $0x80, s12  }
0xf: {  	s15 =	sadd.s32 $0x80, s13;
	s19 =	smov.u32 s13;
	p2 =	sgt.s32 s17, $0x4FF  }
0x10: {  	s19 =	smov.u32 @p2 s15  }
0x11: {  	s17 =	simm.s32 @p2 $0x0;
	p2 =	sgt.s32 s19, $0x27F  }
0x12: {  	s19 =	smov.u32 @p2 s2;
	p2 =	sne.s32 s14, s10  }
.Ltmp1:
0x13: {  	p1 =	slt.u32 s14, $0x2;
	(pc) =	sbr.rel @!p2 .LBB1_8-.Ltmp1, $4  }
0x14: {  	s18 =	simm.s32 @!p1 $0x2  }
0x15: {  	s16 =	smov.u32 s13;
	p0 =	por !p0, !p0;
	_ =	swait.ge @!p1 [sflag:s18], $0x4000  }
0x16: {  	s15 =	smov.u32 s12;
	[sflag:s18] =	ssyncset.done @!p1 $0x0;
	s12 =	smov.u32 s17  }
0x17: {  	s14 =	sadd.s32 $0x1, s14;
	[sflag:s18] =	ssyncadd.s32 @!p1 $0xFFFFC000;
	s13 =	smov.u32 s19  }
.LBB1_1:
0x18: {  	p1 =	sge.u32 s14, s5  }
0x19: {  	s17 =	sand.u32 @!p1 $0x1FFFFFF, s12  }
0x1a: {  	s18 =	smulhi.u32 @!p1 $0xCCCCCD, s17;
	_ =	sdelay $0x1  }
0x1b: {  	s18 =	sshrl.u32 @!p1 s18, $0x2  }
0x1c: {  	s18 =	smul.u32 @!p1 $0x500, s18  }
0x1d: {  	s19 =	sxor.u32 @!p1 $0xFFFFFFFF, s14;
	s20 =	smul.u32 @!p1 $0x5000, s13  }
0x1e: {  	s19 =	sshll.u32 @!p1 s19, $0xE;
	s17 =	ssub.s32 @!p1 s17, s18  }
0x1f: {  	s18 =	sand.u32 @!p1 $0x4000, s19;
	s19 =	sadd.s32 @!p1 s6, s20;
	s17 =	sshll.u32 @!p1 s17, $0x4  }
0x20: {  	s21 =	simm.s32 @!p1 $0x20;
	s22 =	simm.s32 @!p1 $0x80;
	s19 =	sadd.s32 @!p1 s17, s19  }
0x21: {  	[tilespmem:s18], [sflag:$0x1] =	stream.strided.gather @!p1 [hbm4b:s19+s21], $0x1000, s22, s21, $0x38;
	[tilespmem:$0x10100] =	vst v63  }
0x22: {  	s19 =	sadd.s32 @!p1 s20, s7  }
0x23: {  	s23 =	sor.u32 @!p1 $0x1000, s18;
	s19 =	sadd.s32 @!p1 s17, s19  }
0x24: {  	[tilespmem:s23], [sflag:$0x1] =	stream.strided.gather @!p1 [hbm4b:s19+s21], $0x1000, s22, s21, $0x38;
	[tilespmem:$0x10100] =	vst v63  }
0x25: {  	s19 =	sadd.s32 @!p1 s20, s8  }
0x26: {  	s23 =	sor.u32 @!p1 $0x2000, s18;
	s19 =	sadd.s32 @!p1 s17, s19  }
0x27: {  	[tilespmem:s23], [sflag:$0x1] =	stream.strided.gather @!p1 [hbm4b:s19+s21], $0x1000, s22, s21, $0x38;
	[tilespmem:$0x10100] =	vst v63  }
0x28: {  	s19 =	sadd.s32 @!p1 s20, s9  }
0x29: {  	s31 =	sadd.s32 $0xFFFFFFFF, s14;
	s18 =	sor.u32 @!p1 $0x3000, s18;
	s17 =	sadd.s32 @!p1 s17, s19  }
0x2a: {  	[tilespmem:s18], [sflag:$0x1] =	stream.strided.gather @!p1 [hbm4b:s17+s21], $0x1000, s22, s21, $0x38;
	[tilespmem:$0x10100] =	vst v63  }
0x2b: {  	p1 =	sge.u32 s31, s5  }
.Ltmp2:
0x2c: {  	_ = 	snop;
	(pc) =	sbr.rel @p1 .LBB1_7-.Ltmp2, $1  }
0x2d: {  	_ =	sdelay $0x3  }
0x2e: {  	s17 =	simm.s32 $0x1;
	s19 =	sand.u32 $0x1, s14  }
0x2f: {  	_ =	swait.ge [sflag:s4], $0x4000;
	s17 =	simm.s32 @!p0 $0x0;
	s20 =	smul.u32 $0x10200, s19  }
0x30: {  	[sflag:s4] =	ssyncset.done $0x0;
	s18 =	smul.u32 $0x10200, s17  }
0x31: {  	s17 =	sshll.u32 s17, $0xE;
	[sflag:s4] =	ssyncadd.s32 $0xFFFFC000  }
0x32: {  	s19 =	sor.u32 $0x10, s17;
	s31 =	sshrl.u32 s20, $0x2;
	s18 =	sshrl.u32 s18, $0x2  }
0x33: {  	s20 =	simm.s32 $0x0;
	s17 =	sor.u32 $0x8000, s31;
	s18 =	sor.u32 $0x8000, s18  }
.LBB1_3:
0x34: {  	v1 =	vld [tilespmem:s19+$0x0]  }
0x35: {  	v0 =	vld [tilespmem:s19+$0xFFFFFFF0];
	_ =	sdelay $0x2  }
0x36: {  	s23 =	sadd.s32 $0x0, s18  }
0x37: {  	s21 =	simm.s32 $0x4;
	s22 =	sadd.s32 $0x20, s19;
	[tilespmem:s23+$0x2040 ss:$0x204] =	vst.msk $0xffff, v1  }
.LBB1_4:
0x38: {  	v1 =	vld [tilespmem:s22+$0x0];
	p1 =	sne.s32 s21, $0x1FC;
	[tilespmem:s23+$0x0 ss:$0x204] =	vst.msk $0xffff, v0;
	s23 =	smov.u32 s21;
	s21 =	sadd.s32 $0x4, s21  }
.Ltmp3:
0x39: {  	v0 =	vld [tilespmem:s22+$0xFFFFFFF0];
	(pc) =	sbr.rel @p1 .LBB1_4-.Ltmp3, $4  }
0x3a: {  	_ = 	snop  }
0x3b: {  	s23 =	sshra.s32 s23, $0x2  }
0x3c: {  	s23 =	sadd.s32 s23, s18  }
0x3d: {  	s22 =	sadd.s32 $0x20, s22;
	[tilespmem:s23+$0x2040 ss:$0x204] =	vst.msk $0xffff, v1  }
0x3e: {  	s20 =	sadd.s32 $0x1, s20  }
0x3f: {  	p1 =	sne.s32 s20, $0x4  }
.Ltmp4:
0x40: {  	_ = 	snop;
	(pc) =	sbr.rel @p1 .LBB1_3-.Ltmp4, $2  }
0x41: {  	_ =	sdelay $0x2  }
0x42: {  	[tilespmem:s23+$0x0 ss:$0x204] =	vst.msk $0xffff, v0;
	s18 =	sadd.s32 $0x81, s18;
	s19 =	sadd.s32 $0x1000, s19  }
0x43: {  	s18 =	sshrl.u32 s16, $0x3  }
0x44: {  	s19 =	sshll.u32 s15, $0x3;
	s18 =	smul.u32 $0x2800, s18  }
0x45: {  	s28 =	sshll.u32 s16, $0x7;
	s19 =	sand.u32 $0xFFFFFC00, s19  }
0x46: {  	s16 =	sand.u32 $0x380, s28;
	s18 =	sadd.s32 s18, s19  }
0x47: {  	s29 =	sand.u32 $0x7F, s15;
	s16 =	sor.u32 s16, s18  }
0x48: {  	s15 =	sor.u32 s29, s16;
	s16 =	smulhi.u32 $0xCCCCCCCD, s16  }
0x49: {  	s30 =	smulhi.u32 $0xCCCCCCCD, s15  }
0x4a: {  	s16 =	sshrl.u32 s16, $0xA  }
0x4b: {  	s18 =	sshrl.u32 s30, $0xA;
	s31 =	smulhi.u32 $0x666667, s16  }
0x4c: {  	s18 =	smul.u32 $0x500, s18  }
0x4d: {  	s19 =	smul.u32 $0x280, s31;
	_ =	sdelay $0x1  }
.Ltmp5:
0x4e: {  	s15 =	ssub.s32 s15, s18;
	s16 =	ssub.s32 s16, s19;
	(pc) =	sbr.rel .LBB1_7-.Ltmp5, $4  }
0x4f: {  	s18 =	sshrl.u32 s15, $0x3;
	s15 =	sand.u32 $0x7, s15;
	s16 =	smul.u32 $0xA0, s16  }
0x50: {  	s18 =	sadd.s32 s3, s18;
	s15 =	sshll.u32 s15, $0x12  }
0x51: {  	s15 =	sor.u32 $0x200, s15;
	s16 =	sadd.s32 s16, s18  }
0x52: {  	[hbm4b:s16+s15] =	stream.strided.scatter [tilespmem:s17], [sflag:$0x2], $0x4000, s11, s15, $0x20;
	[tilespmem:$0x10100] =	vst v63  }
.LBB1_8:
0x53: {  	_ =	sfence.sel $0x180000  }
0x54: {  	s2 =	simm.s32 $0x1;
	[bflag:$0x0] =	sbarrier.arrive $0xFFFF  }
0x55: {  	s31 =	simm.s32 $0x2;
	[sflag:s2] =	ssyncpa.u1 $0x1  }
0x56: {  	[sflag:s31] =	ssyncpa.u1 $0x1  }
0x57: {  	p0 =	sne.s32 s0, $0x0;
	_ =	strace $0x9000004A  }
0x58: {  	s0 =	sadd.s32 @!p0 $0x100000, s1;
	[bflag:$0x2] =	sbarrier.arrive $0xFFFF  }
0x59: {  	[sflag:s0] =	ssyncadd.tile.s32 @!p0 $0x1;
	_ =	shalt  }
.Lfunc_end1:
_tile_overlayer_lowered:
.L_overlay_start_2:
0x5a: {  	(tag) =	ssettag $0x2  }
0x5b: {  	s0 =	rddreg [dreg:$0x0];
	s2 =	stileid.u32  }
0x5c: {  	s1 =	rddreg [dreg:$0x1];
	p0 =	sne.s32 s2, $0x0  }
0x5d: {  	s3 =	rddreg [dreg:$0x2];
	[bflag:$0x3] =	sbarrier.arrive $0xFFFF;
	s2 =	simm.s32 @!p0 $0x1C01  }
0x5e: {  	[timem:s3], [sflag:s2] =	dma.local @!p0 [hbm:s0], s1  }
0x5f: {  	s0 =	simm.s32 @!p0 $0x1  }
0x60: {  	_ =	swait.ge @!p0 [sflag:s0], s1  }
0x61: {  	s1 =	ssub.s32 @!p0 $0x0, s1;
	[sflag:s0] =	ssyncset.done @!p0 $0x0  }
0x62: {  	[sflag:s0] =	ssyncadd.s32 @!p0 s1  }
0x63: {  	[bflag:$0x3] =	sbarrier.arrive $0xFFFF  }
0x64: {  	_ =	shalt  }

// kernel: sparse-core-data-format-call.cloned.1.call-start
scs
called_computation_lowered:
.L_overlay_start_0:
0x0: {  	s2 =	sld [smem:$0x3FD9]  }
0x1: {  	s3 =	sld [smem:$0x3FFE];
	_ =	sdelay $0x1  }
0x2: {  	s1 =	srdreg.scid  }
0x3: {  	s0 =	sand.u32 $0x1, s1  }
0x4: {  	s18 =	sshll.u32 s0, $0xA;
	s2 =	sadd.s32 s3, s2  }
0x5: {  	s2 =	sadd.s32 s2, s18  }
0x6: {  	[smem:$0x3FC6] =	sst s2  }
0x7: {  	_ = 	snop  }
0x8: {  	s2 =	sld [smem:$0x3FD0];
	(tm) =	ssettm $0x1  }
0x9: {  	s19 =	sld [smem:$0x3FFB];
	_ =	sdelay $0x3  }
0xa: {  	_ =	strace s19  }
0xb: {  	s3 =	sld [smem:$0x3FFC];
	_ =	sdelay $0x3  }
0xc: {  	_ =	strace s3  }
0xd: {  	s3 =	sld [smem:$0x3FFD];
	_ =	sdelay $0x3  }
0xe: {  	_ =	strace s3  }
0xf: {  	_ =	strace $0x8FFFFFFF  }
0x10: {  	s20 =	sld [smem:$0x3FDB];
	_ =	sdelay $0x1  }
0x11: {  	s4 =	simm.s32 $_scs_section_size  }
0x12: {  	s5 =	simm.s32 $_size__tile_overlayer_lowered;
	s6 =	simm.s32 $_tile_overlayer_lowered  }
0x13: {  	s23 =	simm.s32 $0x1BFF;
	s22 =	sshll.u32 s6, $0x1;
	s3 =	sadd.s32 s4, s20  }
0x14: {  	s7 =	simm.s32 $0x0;
	s21 =	sshll.u32 s5, $0x1;
	s5 =	sadd.s32 s22, s3  }
0x15: {  	[timem:s7], [sflag:s23] =	dma.local [hbm:s5], s21  }
0x16: {  	_ =	swait.ge [sflag:s23], s21  }
0x17: {  	s4 =	ssub.s32 $0x0, s21;
	[sflag:s23] =	ssyncset.done $0x0  }
0x18: {  	[sflag:s23] =	ssyncadd.s32 s4;
	_ =	sdelay $0x1  }
0x19: {  	s24 =	simm.s32 $0x1B8B  }
0x1a: {  	_ =	swait.ge [sflag:s24], $0x1  }
0x1b: {  	[sflag:s24] =	ssyncset.done $0x0  }
0x1c: {  	s26 =	simm.s32 $0x1B8E;
	s25 =	sld [smem:$0x3FFE];
	[sflag:s24] =	ssyncadd.s32 $0xFFFFFFFF  }
0x1d: {  	s27 =	simm.s32 $execute0_lowered;
	[smem:$0x3FD2] =	sst s26  }
0x1e: {  	s5 =	sshll.u32 s27, $0x1;
	_ =	strace $0x8000004C;
	[dreg:$0x1] =	wrdreg $0xFFFFFFFF  }
0x1f: {  	s28 =	simm.s32 $_size_execute0_lowered;
	s3 =	sadd.s32 s3, s5;
	[dreg:$0x0] =	wrdreg $0x0  }
0x20: {  	s5 =	sshll.u32 s28, $0x1;
	[dreg:$0x2] =	wrdreg s3  }
0x21: {  	[dreg:$0x3] =	wrdreg s5  }
0x22: {  	[dreg:$0x4] =	wrdreg $0xC0  }
0x23: {  	_ =	task [dreg:s7], $0x5FFFF  }
0x24: {  	[dreg:$0x1] =	wrdreg $0xFFFFFFFF  }
0x25: {  	[dreg:$0x0] =	wrdreg $0x60  }
0x26: {  	[dreg:$0x2] =	wrdreg s25  }
0x27: {  	[dreg:$0x3] =	wrdreg s2  }
0x28: {  	[dreg:$0x4] =	wrdreg $0x9  }
0x29: {  	_ =	task.clear_ibuf [dreg:s7], $0x5FFFF;
	_ =	strace $0x9000004C  }
0x2a: {  	s29 =	simm.s32 $0x9;
	_ =	strace $0x8000004E  }
0x2b: {  	_ =	swait.ge [sflag:s29], $0x1  }
0x2c: {  	[sflag:s29] =	ssyncadd.s32 $0xFFFFFFFF  }
0x2d: {  	_ =	strace $0x9000004E  }
0x2e: {  	_ =	sfence  }
0x2f: {  	s30 =	sld [smem:$0x0];
	_ =	sdelay $0x2  }
0x30: {  	s31 =	sshll.u32 s1, $0xD;
	s1 =	sshrl.u32 s1, $0x2  }
0x31: {  	s3 =	sand.u32 $0x4000, s31;
	s1 =	sadd.s32 s1, s30  }
0x32: {  	s0 =	sor.u32 s3, s0;
	s1 =	sshll.u32 s1, $0x11  }
0x33: {  	s0 =	sor.u32 s1, s0  }
0x34: {  	s0 =	sadd.s32 $0x8F2B, s0  }
0x35: {  	[sflag:s0] =	ssyncadd.remote.s32 $0x1  }
0x36: {  	_ =	sfence.sel $0xFFFF  }
0x37: {  	[dreg:$0x0] =	wrdreg $0xFFFFFFFF;
	(pc) =	sbr.abs _section_cstart, $3  }
0x38: {  	[dreg:$0x1] =	wrdreg $0xFFFFFFFF  }
0x39: {  	_ =	task.clear_ibuf [dreg:s7], $0x2FFFF;
	_ =	strace $0x9FFFFFFF  }
0x3a: {  	(tm) =	ssettm $0x7FFFFFFF  }
0x3b: {  	_ =	shalt  }
tec
execute0_lowered:
.L_overlay_start_1:
0x0: {  	(tag) =	ssettag $0x1  }
0x1: {  	s8 =	rddreg [dreg:$0x0]  }
0x2: {  	s2 =	rddreg [dreg:$0x1];
	s1 =	stileid.u32  }
0x3: {  	s4 =	srdreg.scid;
	s0 =	rddreg [dreg:$0x2];
	_ =	strace $0x8000004D  }
0x4: {  	s9 =	simm.s32 $0x1;
	s31 =	simm.s32 $0x2;
	s16 =	simm.s32 $0x0  }
0x5: {  	s17 =	simm.s32 $0x0;
	s11 =	simm.s32 $0x0;
	s12 =	simm.s32 $0x0  }
0x6: {  	s15 =	simm.s32 $0x0;
	s3 =	sshll.u32 s1, $0x1;
	s4 =	sshll.u32 s4, $0x7  }
0x7: {  	s4 =	sand.u32 $0x80, s4;
	s5 =	ssub.s32 $0x20, s3;
	s14 =	smov.u32 s3  }
0x8: {  	s6 =	sshrl.u32 s5, $0x5;
	s5 =	sand.u32 $0x1E, s5;
	s7 =	ssub.s32 $0x4000, s4  }
0x9: {  	p0 =	sne.s32 s5, $0x0;
	s30 =	sshrl.u32 s7, $0x7;
	s7 =	sshrl.u32 s7, $0x8  }
.Ltmp0:
0xa: {  	s9 =	simm.s32 @!p0 $0x0;
	s10 =	sand.u32 $0x1, s30;
	(pc) =	sbr.rel .LBB1_1-.Ltmp0, $4  }
0xb: {  	s5 =	simm.s32 $0x1;
	s6 =	sadd.s32 s9, s6;
	s7 =	sadd.s32 s7, s10  }
0xc: {  	s13 =	smov.u32 s4;
	[sflag:s5] =	ssyncpa.u1 $0x0;
	s6 =	smul.u32 s6, s7  }
0xd: {  	p0 =	por $0x0, $0x0;
	[sflag:s31] =	ssyncpa.u1 $0x0;
	s10 =	simm.s32 $0x80000  }
0xe: {  	s7 =	sadd.s32 $0xE00, s8;
	s8 =	sadd.s32 $0x40E00, s8;
	s9 =	sadd.s32 $0x1, s6  }
.LBB1_7:
0xf: {  	p1 =	slt.u32 s15, $0x2  }
0x10: {  	s19 =	smov.u32 s17;
	p2 =	sgt.s32 @!p1 s17, $0x1E;
	s18 =	sshra.s32 @!p1 s17, $0x1F  }
0x11: {  	p3 =	sgt.s32 @!p1 s16, $0x3F80;
	s20 =	sshra.s32 @!p1 s16, $0x1F;
	p2 =	por !p2, p1  }
0x12: {  	s17 =	sand.u32 @!p1 s18, s17;
	p3 =	por !p3, p1;
	s18 =	smov.u32 s16  }
0x13: {  	s16 =	sand.u32 @!p1 s20, s16;
	s19 =	simm.s32 @p2 $0x1E;
	s18 =	simm.s32 @p3 $0x3F80  }
0x14: {  	s20 =	smov.u32 s14;
	s17 =	ssub.s32 @!p1 s19, s17;
	s16 =	ssub.s32 @!p1 s18, s16  }
0x15: {  	s18 =	sadd.s32 @!p1 $0xFFFFFFE2, s17;
	s17 =	ssub.s32 @!p1 $0x20, s17;
	s19 =	sadd.s32 @!p1 $0xFFFFC080, s16  }
0x16: {  	p2 =	sgt.s32 @!p1 s18, $0x1;
	s17 =	smul.u32 @!p1 $0x32, s17;
	p3 =	sgt.s32 @!p1 s19, $0x7F  }
0x17: {  	s16 =	ssub.s32 @!p1 $0x4000, s16;
	p2 =	por !p2, p1;
	p3 =	por !p3, p1  }
0x18: {  	s18 =	sadd.s32 $0x100, s13;
	s17 =	simm.s32 @!p2 $0x0;
	s16 =	simm.s32 @!p3 $0x0  }
0x19: {  	p2 =	sgt.s32 s18, $0x3FFF;
	s16 =	smul.u32 @!p1 s16, s17;
	s17 =	sadd.s32 $0x20, s14  }
0x1a: {  	s20 =	smov.u32 @p2 s17  }
0x1b: {  	s18 =	smov.u32 @p2 s4;
	p2 =	sgt.s32 s20, $0x1F  }
0x1c: {  	s20 =	smov.u32 @p2 s3;
	p2 =	sne.s32 s15, s9  }
.Ltmp1:
0x1d: {  	p0 =	por !p0, !p0;
	s19 =	simm.s32 @!p1 $0x2;
	(pc) =	sbr.rel @!p2 .LBB1_8-.Ltmp1, $4  }
0x1e: {  	s17 =	smov.u32 s12;
	s12 =	smov.u32 s14;
	s16 =	sand.u32 @!p1 $0x3FFFFFFE, s16  }
0x1f: {  	_ =	swait.ge @!p1 [sflag:s19], s16;
	s21 =	ssub.s32 @!p1 $0x0, s16;
	s16 =	smov.u32 s11  }
0x20: {  	s15 =	sadd.s32 $0x1, s15;
	s11 =	smov.u32 s13;
	[sflag:s19] =	ssyncset.done @!p1 $0x0  }
0x21: {  	s13 =	smov.u32 s18;
	s14 =	smov.u32 s20;
	[sflag:s19] =	ssyncadd.s32 @!p1 s21  }
.LBB1_1:
0x22: {  	p1 =	sge.u32 s15, s6  }
0x23: {  	s18 =	sxor.u32 @!p1 $0xFFFFFFFF, s15;
	s19 =	sshll.u32 @!p1 s14, $0x12  }
0x24: {  	s20 =	sshll.u32 @!p1 s13, $0x4;
	s22 =	simm.s32 @!p1 $0x40;
	s23 =	simm.s32 @!p1 $0x80  }
0x25: {  	s18 =	sshll.u32 @!p1 s18, $0xE;
	s20 =	sand.u32 @!p1 $0x3FFF0, s20;
	s21 =	sadd.s32 @!p1 s7, s19  }
0x26: {  	s19 =	sadd.s32 @!p1 s19, s8;
	s18 =	sand.u32 @!p1 $0x4000, s18;
	s21 =	sadd.s32 @!p1 s20, s21  }
0x27: {  	[tilespmem:s18], [sflag:$0x1] =	stream.strided.gather @!p1 [hbm4b:s21+s22], $0x2000, s23, s22, $0x38;
	[tilespmem:$0x10100] =	vst v63  }
0x28: {  	s31 =	sadd.s32 $0xFFFFFFFF, s15;
	s19 =	sadd.s32 @!p1 s20, s19;
	s18 =	sor.u32 @!p1 $0x2000, s18  }
0x29: {  	[tilespmem:s18], [sflag:$0x1] =	stream.strided.gather @!p1 [hbm4b:s19+s22], $0x2000, s23, s22, $0x38;
	[tilespmem:$0x10100] =	vst v63  }
0x2a: {  	p1 =	sge.u32 s31, s6  }
.Ltmp2:
0x2b: {  	_ = 	snop;
	(pc) =	sbr.rel @p1 .LBB1_7-.Ltmp2, $1  }
0x2c: {  	_ =	sdelay $0x3  }
0x2d: {  	s18 =	simm.s32 $0x1;
	s20 =	sand.u32 $0x1, s15  }
0x2e: {  	_ =	swait.ge [sflag:s5], $0x4000;
	s18 =	simm.s32 @!p0 $0x0;
	s20 =	smul.u32 $0x10200, s20  }
0x2f: {  	p2 =	por $0x1, $0x1;
	[sflag:s5] =	ssyncset.done $0x0;
	s19 =	smul.u32 $0x10200, s18  }
0x30: {  	s21 =	sshll.u32 s18, $0x10;
	[sflag:s5] =	ssyncadd.s32 $0xFFFFC000;
	s30 =	sshrl.u32 s20, $0x2  }
0x31: {  	s31 =	sshrl.u32 s21, $0x2;
	s21 =	simm.s32 $0x0;
	s19 =	sshrl.u32 s19, $0x2  }
0x32: {  	s18 =	sor.u32 $0x8000, s30;
	s20 =	sadd.s32 $0x20, s31;
	s19 =	sor.u32 $0x8000, s19  }
.LBB1_3:
0x33: {  	s22 =	sshll.u32 s21, $0xD  }
0x34: {  	s22 =	sand.u32 $0x3FFFE000, s22  }
0x35: {  	s24 =	sadd.s32 s22, s20  }
0x36: {  	s31 =	smul.u32 $0x204, s21;
	v3 =	vld [tilespmem:s24+$0x10]  }
0x37: {  	v1 =	vld [tilespmem:s24+$0xFFFFFFF0]  }
0x38: {  	s21 =	sshra.s32 s31, $0x2;
	v0 =	vld [tilespmem:s24+$0x0]  }
0x39: {  	s21 =	sadd.s32 s21, s19;
	v2 =	vld [tilespmem:s24+$0xFFFFFFE0]  }
0x3a: {  	s22 =	sadd.s32 $0x0, s21  }
0x3b: {  	p1 =	por p2, p2;
	s23 =	simm.s32 $0x4;
	s24 =	sadd.s32 $0x40, s24;
	[tilespmem:s22+$0x3060 ss:$0x102] =	vst.msk $0xffff, v3  }
.LBB1_4:
0x3c: {  	v3 =	vld [tilespmem:s24+$0x10];
	p2 =	sne.s32 s23, $0x1FC;
	[tilespmem:s22+$0x1020 ss:$0x102] =	vst.msk $0xffff, v1;
	s25 =	smov.u32 s23;
	s23 =	sadd.s32 $0x4, s23  }
.Ltmp3:
0x3d: {  	v1 =	vld [tilespmem:s24+$0xFFFFFFF0];
	[tilespmem:s22+$0x2040 ss:$0x102] =	vst.msk $0xffff, v0;
	(pc) =	sbr.rel @p2 .LBB1_4-.Ltmp3, $4  }
0x3e: {  	v0 =	vld [tilespmem:s24+$0x0];
	[tilespmem:s22+$0x0 ss:$0x102] =	vst.msk $0xffff, v2  }
0x3f: {  	s22 =	sshra.s32 s25, $0x2;
	v2 =	vld [tilespmem:s24+$0xFFFFFFE0]  }
0x40: {  	s22 =	sadd.s32 s22, s21  }
0x41: {  	s24 =	sadd.s32 $0x40, s24;
	[tilespmem:s22+$0x3060 ss:$0x102] =	vst.msk $0xffff, v3  }
.Ltmp4:
0x42: {  	(pc) =	sbr.rel @p1 .LBB1_3-.Ltmp4, $4  }
0x43: {  	_ = 	snop  }
0x44: {  	[tilespmem:s22+$0x1020 ss:$0x102] =	vst.msk $0xffff, v1  }
0x45: {  	[tilespmem:s22+$0x2040 ss:$0x102] =	vst.msk $0xffff, v0  }
0x46: {  	s21 =	simm.s32 $0x1;
	p2 =	por $0x0, $0x0;
	[tilespmem:s22+$0x0 ss:$0x102] =	vst.msk $0xffff, v2  }
0x47: {  	s19 =	sand.u32 $0x78, s11;
	p1 =	sgt.s32 s12, $0x1E;
	s20 =	smov.u32 s12  }
0x48: {  	s21 =	sshra.s32 s12, $0x1F;
	s22 =	sshll.u32 s12, $0xE;
	s23 =	sshll.u32 s11, $0x3  }
0x49: {  	s30 =	sshra.s32 s11, $0x1F;
	s25 =	sshll.u32 s12, $0x7;
	s20 =	simm.s32 @!p1 $0x1E  }
0x4a: {  	s21 =	sand.u32 s21, s12;
	s22 =	sand.u32 $0x60000, s22;
	p1 =	sgt.s32 s11, $0x3F80  }
0x4b: {  	s25 =	sand.u32 $0x380, s25;
	s20 =	ssub.s32 s20, s21;
	s21 =	smov.u32 s11  }
0x4c: {  	s22 =	sadd.s32 s22, s23;
	s24 =	sadd.s32 $0xFFFFFFE2, s20;
	s21 =	simm.s32 @!p1 $0x3F80  }
0x4d: {  	s20 =	ssub.s32 $0x20, s20;
	p1 =	sgt.s32 s24, $0x1;
	s24 =	sand.u32 s30, s11  }
0x4e: {  	s23 =	sand.u32 $0x3C00, s23;
	s20 =	smul.u32 $0x32, s20;
	s21 =	ssub.s32 s21, s24  }
0x4f: {  	s19 =	sor.u32 s25, s19;
	s22 =	sand.u32 $0x7C000, s22;
	s24 =	sadd.s32 $0xFFFFC080, s21  }
0x50: {  	s20 =	simm.s32 @p1 $0x0;
	s21 =	ssub.s32 $0x4000, s21;
	p1 =	sgt.s32 s24, $0x7F  }
.Ltmp5:
0x51: {  	s19 =	sor.u32 s23, s19;
	s21 =	simm.s32 @p1 $0x0;
	(pc) =	sbr.rel .LBB1_7-.Ltmp5, $4  }
0x52: {  	s31 =	sand.u32 $0x7, s11;
	s19 =	sor.u32 s22, s19;
	s20 =	smul.u32 s21, s20  }
0x53: {  	s19 =	sshrl.u32 s19, $0x3;
	s21 =	sshll.u32 s31, $0x12  }
0x54: {  	s19 =	sadd.s32 s2, s19;
	s21 =	sor.u32 $0x100, s21;
	s20 =	sand.u32 $0x3FFFFFFE, s20  }
0x55: {  	[hbm4b:s19+s21] =	stream.strided.scatter [tilespmem:s18], [sflag:$0x2], s20, s10, s21, $0x20;
	[tilespmem:$0x10100] =	vst v63  }
.LBB1_8:
0x56: {  	_ =	sfence.sel $0x180000  }
0x57: {  	s2 =	simm.s32 $0x1;
	[bflag:$0x0] =	sbarrier.arrive $0xFFFF  }
0x58: {  	s31 =	simm.s32 $0x2;
	[sflag:s2] =	ssyncpa.u1 $0x1  }
0x59: {  	[sflag:s31] =	ssyncpa.u1 $0x1  }
0x5a: {  	p0 =	sne.s32 s1, $0x0;
	_ =	strace $0x9000004D  }
0x5b: {  	s0 =	sadd.s32 @!p0 $0x100000, s0;
	[bflag:$0x2] =	sbarrier.arrive $0xFFFF  }
0x5c: {  	[sflag:s0] =	ssyncadd.tile.s32 @!p0 $0x1;
	_ =	shalt  }
.Lfunc_end1:
_tile_overlayer_lowered:
.L_overlay_start_2:
0x5d: {  	(tag) =	ssettag $0x2  }
0x5e: {  	s0 =	rddreg [dreg:$0x0];
	s2 =	stileid.u32  }
0x5f: {  	s1 =	rddreg [dreg:$0x1];
	p0 =	sne.s32 s2, $0x0  }
0x60: {  	s3 =	rddreg [dreg:$0x2];
	[bflag:$0x3] =	sbarrier.arrive $0xFFFF;
	s2 =	simm.s32 @!p0 $0x1C01  }
0x61: {  	[timem:s3], [sflag:s2] =	dma.local @!p0 [hbm:s0], s1  }
0x62: {  	s0 =	simm.s32 @!p0 $0x1  }
0x63: {  	_ =	swait.ge @!p0 [sflag:s0], s1  }
0x64: {  	s1 =	ssub.s32 @!p0 $0x0, s1;
	[sflag:s0] =	ssyncset.done @!p0 $0x0  }
0x65: {  	[sflag:s0] =	ssyncadd.s32 @!p0 s1  }
0x66: {  	[bflag:$0x3] =	sbarrier.arrive $0xFFFF  }
0x67: {  	_ =	shalt  }

</sc_bundles>
